<compile_context>
chip_gen: v7x
topology: tpu7x:2x2x1
jax: 0.10.2.dev20260603
libtpu: 0.0.44.dev20260713+nightly
codegen_flags: <defaults>
</compile_context>

<pallas_src>
import functools

import jax
import jax.numpy as jnp
from jax import lax
from jax.experimental import pallas as pl
from jax.experimental.pallas import tpu as pltpu
from jax.experimental.pallas import tpu_sc as plsc

B, S, D = 4, 4096, 1024
NC, NS, L = 2, 16, 16
NW = NC * NS
SPW = S // NW
T = 16
NCH = SPW // T
NSTEP = NCH * B
NG = NSTEP // 8

_mesh = plsc.VectorSubcoreMesh(
    core_axis_name="c", subcore_axis_name="s", num_cores=NC, num_subcores=NS
)


@functools.partial(
    pl.kernel,
    out_type=jax.ShapeDtypeStruct((B, S, D), jnp.float32),
    mesh=_mesh,
    compiler_params=pltpu.CompilerParams(use_tc_tiling_on_sc=True),
    scratch_types=[
        [pltpu.VMEM((T, D), jnp.float32)] * 2,
        [pltpu.VMEM((T, D), jnp.float32)] * 4,
        [pltpu.SemaphoreType.DMA] * 2,
        [pltpu.SemaphoreType.DMA] * 4,
        [pltpu.SemaphoreType.DMA] * 4,
    ],
)
def _sc_add(x_hbm, pos_hbm, out_hbm, p_v, x_v, sem_p, sem_x, sem_o):
    wid = lax.axis_index("s") * NC + lax.axis_index("c")
    s0 = wid * SPW

    def pos_load(ci, par):
        return pltpu.make_async_copy(
            pos_hbm.at[pl.ds(s0 + ci * T, T)], p_v[par], sem_p[par]
        )

    def x_load(ci, b, ring):
        return pltpu.make_async_copy(
            x_hbm.at[b, pl.ds(s0 + ci * T, T)], x_v[ring], sem_x[ring]
        )

    def out_store(ci, b, ring):
        return pltpu.make_async_copy(
            x_v[ring], out_hbm.at[b, pl.ds(s0 + ci * T, T)], sem_o[ring]
        )

    pos_load(0, 0).start()
    for st in range(3):
        x_load(0, st, st).start()

    def group(g, carry):
        for k in range(8):
            ci = 2 * g + k // 4
            par = (k // 4) % 2
            if k % 4 == 0:
                pos_load(ci, par).wait()
                if k == 0:
                    pos_load(ci + 1, 1 - par).start()
                else:
                    @pl.when(g < NG - 1)
                    def _():
                        pos_load(ci + 1, 1 - par).start()
            x_load(ci, k % 4, k % 4).wait()

            pv = p_v[par]
            xv = x_v[k % 4]

            @plsc.parallel_loop(0, T * D // L, unroll=4)
            def _acc(i):
                r = i // (D // L)
                c = (i % (D // L)) * L
                sl = pl.ds(c, L)
                plsc.addupdate(xv.at[r, sl], pv[r, sl])

            out_store(ci, k % 4, k % 4).start()

            if k >= 1:
                cip, kp = 2 * g + (k - 1) // 4, k - 1
                guard_prev = False
            else:
                cip, kp = 2 * g - 1, 7
                guard_prev = True
            k3 = k + 3
            if k3 < 8:
                ci3, b3 = 2 * g + k3 // 4, k3 % 4
            else:
                ci3, b3 = 2 * g + 2, (k3 - 8) % 4
            ring3 = k3 % 4

            def refill(cip=cip, kp=kp, guard_prev=guard_prev,
                       ci3=ci3, b3=b3, ring3=ring3):
                if guard_prev:
                    @pl.when(g >= 1)
                    def _():
                        out_store(cip, kp % 4, kp % 4).wait()
                else:
                    out_store(cip, kp % 4, kp % 4).wait()
                x_load(ci3, b3, ring3).start()

            if k < 5:
                refill()
            else:
                @pl.when(g < NG - 1)
                def _():
                    refill()
        return carry

    lax.fori_loop(0, NG, group, 0)

    for k in range(4):
        out_store(2 * NG - 1, k, k).wait()


def kernel(x, pos_table):
    return _sc_add(x, pos_table)

# --- scband reference (transcript-rebuilt; emitter-appended) ---
"""Pipeline reference for scband-learnable-positional-encoding-14594298871867 (READ-ONLY COPY).

The authoritative reference and input builder live on the scoring server;
editing this copy changes nothing except your own understanding.
"""

import jax, jax.numpy as jnp
import numpy as np

MAX_SEQ_LEN = 4096
EMBED_DIM = 1024
B, S, D = 4, 4096, 1024

def setup_inputs(seed: int = 0) -> dict:
    key = jax.random.key(seed)
    k1, k2 = jax.random.split(key)
    x = jax.random.normal(k1, (B, S, D), dtype=jnp.float32)
    pos_table = jax.random.normal(k2, (MAX_SEQ_LEN, EMBED_DIM), dtype=jnp.float32) * 0.02
    return {"x": x, "pos_table": pos_table}

def reference(x, pos_table):
    # pos_id = arange(0, S)[None, :]; embedding lookup -> [1, S, D]
    S_ = x.shape[1]
    pos_id = jnp.arange(0, S_)[None, :]
    pos_embed = jnp.take(pos_table, pos_id, axis=0)  # [1, S, D]
    out = x + pos_embed  # broadcast over batch
    # dropout is identity in eval mode
    return out

if __name__ == "__main__":
    import jax
    _d = setup_inputs()
    print(jax.jit(kernel)(*tuple(_d.values())))

</pallas_src>

<mosaic_0001>
#map = affine_map<(d0, d1) -> (0, 0, 0)>
#map1 = affine_map<(d0, d1) -> (0, 0)>
module attributes {stable_mosaic.version = 14 : i64} {
  func.func @_sc_add(%arg0: i32, %arg1: i32, %arg2: memref<4x4096x1024xf32, #tpu.memory_space<hbm>>, %arg3: memref<4096x1024xf32, #tpu.memory_space<hbm>>, %arg4: memref<4x4096x1024xf32, #tpu.memory_space<hbm>>, %arg5: memref<16x1024xf32, #tpu.memory_space<vmem>>, %arg6: memref<16x1024xf32, #tpu.memory_space<vmem>>, %arg7: memref<16x1024xf32, #tpu.memory_space<vmem>>, %arg8: memref<16x1024xf32, #tpu.memory_space<vmem>>, %arg9: memref<16x1024xf32, #tpu.memory_space<vmem>>, %arg10: memref<16x1024xf32, #tpu.memory_space<vmem>>, %arg11: memref<!tpu.dma_semaphore, #tpu.memory_space<semaphore_mem>>, %arg12: memref<!tpu.dma_semaphore, #tpu.memory_space<semaphore_mem>>, %arg13: memref<!tpu.dma_semaphore, #tpu.memory_space<semaphore_mem>>, %arg14: memref<!tpu.dma_semaphore, #tpu.memory_space<semaphore_mem>>, %arg15: memref<!tpu.dma_semaphore, #tpu.memory_space<semaphore_mem>>, %arg16: memref<!tpu.dma_semaphore, #tpu.memory_space<semaphore_mem>>, %arg17: memref<!tpu.dma_semaphore, #tpu.memory_space<semaphore_mem>>, %arg18: memref<!tpu.dma_semaphore, #tpu.memory_space<semaphore_mem>>, %arg19: memref<!tpu.dma_semaphore, #tpu.memory_space<semaphore_mem>>, %arg20: memref<!tpu.dma_semaphore, #tpu.memory_space<semaphore_mem>>) attributes {dimension_semantics = [#tpu.dimension_semantics<core_parallel>, #tpu.dimension_semantics<subcore_parallel>], iteration_bounds = array<i64: 2, 16>, scalar_prefetch = 0 : i64, scratch_operands = 16 : i64, tpu.core_type = #tpu.core_type<sc_vector_subcore>, window_params = [{transform_indices = #map}, {transform_indices = #map1}, {transform_indices = #map}]} {
    %mul3A = arith.constant 2 : i32
    %mul3A_0 = arith.muli %arg1, %mul3A : i32
    %add3A = arith.addi %mul3A_0, %arg0 : i32
    %mul3A_1 = arith.constant 128 : i32
    %mul3A_2 = arith.muli %add3A, %mul3A_1 : i32
    %add3A_3 = arith.constant 0 : i32
    %add3A_4 = arith.addi %mul3A_2, %add3A_3 : i32
    %dma_start3A = arith.constant 0 : i32
    %dma_start3A_5 = tpu.memref_slice %arg3[%add3A_4, %dma_start3A] : memref<4096x1024xf32, #tpu.memory_space<hbm>> -> memref<16x1024xf32, #tpu.memory_space<hbm>>
    %dma_start3A_6 = arith.constant 0 : i32
    %dma_start3A_7 = tpu.memref_slice %arg3[%add3A_4, %dma_start3A_6] : memref<4096x1024xf32, #tpu.memory_space<hbm>> -> memref<16x1024xf32, #tpu.memory_space<hbm>>
    tpu.enqueue_dma source(%dma_start3A_7 : memref<16x1024xf32, #tpu.memory_space<hbm>>) target(%arg5 : memref<16x1024xf32, #tpu.memory_space<vmem>>) target_semaphore(%arg11 : memref<!tpu.dma_semaphore, #tpu.memory_space<semaphore_mem>>)
    %add3A_8 = arith.constant 0 : i32
    %add3A_9 = arith.addi %mul3A_2, %add3A_8 : i32
    %dma_start3A_10 = arith.constant 0 : i32
    %dma_start3A_11 = arith.constant 0 : i32
    %dma_start3A_12 = tpu.memref_slice %arg2[%dma_start3A_10, %add3A_9, %dma_start3A_11] : memref<4x4096x1024xf32, #tpu.memory_space<hbm>> -> memref<1x16x1024xf32, #tpu.memory_space<hbm>>
    %dma_start3A_13 = tpu.memref_squeeze %dma_start3A_12 : memref<1x16x1024xf32, #tpu.memory_space<hbm>> -> memref<16x1024xf32, #tpu.memory_space<hbm>>
    %dma_start3A_14 = arith.constant 0 : i32
    %dma_start3A_15 = tpu.memref_slice %arg2[%dma_start3A_10, %add3A_9, %dma_start3A_14] : memref<4x4096x1024xf32, #tpu.memory_space<hbm>> -> memref<1x16x1024xf32, #tpu.memory_space<hbm>>
    %dma_start3A_16 = tpu.memref_squeeze %dma_start3A_15 : memref<1x16x1024xf32, #tpu.memory_space<hbm>> -> memref<16x1024xf32, #tpu.memory_space<hbm>>
    tpu.enqueue_dma source(%dma_start3A_16 : memref<16x1024xf32, #tpu.memory_space<hbm>>) target(%arg7 : memref<16x1024xf32, #tpu.memory_space<vmem>>) target_semaphore(%arg13 : memref<!tpu.dma_semaphore, #tpu.memory_space<semaphore_mem>>)
    %add3A_17 = arith.constant 0 : i32
    %add3A_18 = arith.addi %mul3A_2, %add3A_17 : i32
    %dma_start3A_19 = arith.constant 1 : i32
    %dma_start3A_20 = arith.constant 0 : i32
    %dma_start3A_21 = tpu.memref_slice %arg2[%dma_start3A_19, %add3A_18, %dma_start3A_20] : memref<4x4096x1024xf32, #tpu.memory_space<hbm>> -> memref<1x16x1024xf32, #tpu.memory_space<hbm>>
    %dma_start3A_22 = tpu.memref_squeeze %dma_start3A_21 : memref<1x16x1024xf32, #tpu.memory_space<hbm>> -> memref<16x1024xf32, #tpu.memory_space<hbm>>
    %dma_start3A_23 = arith.constant 0 : i32
    %dma_start3A_24 = tpu.memref_slice %arg2[%dma_start3A_19, %add3A_18, %dma_start3A_23] : memref<4x4096x1024xf32, #tpu.memory_space<hbm>> -> memref<1x16x1024xf32, #tpu.memory_space<hbm>>
    %dma_start3A_25 = tpu.memref_squeeze %dma_start3A_24 : memref<1x16x1024xf32, #tpu.memory_space<hbm>> -> memref<16x1024xf32, #tpu.memory_space<hbm>>
    tpu.enqueue_dma source(%dma_start3A_25 : memref<16x1024xf32, #tpu.memory_space<hbm>>) target(%arg8 : memref<16x1024xf32, #tpu.memory_space<vmem>>) target_semaphore(%arg14 : memref<!tpu.dma_semaphore, #tpu.memory_space<semaphore_mem>>)
    %add3A_26 = arith.constant 0 : i32
    %add3A_27 = arith.addi %mul3A_2, %add3A_26 : i32
    %dma_start3A_28 = arith.constant 2 : i32
    %dma_start3A_29 = arith.constant 0 : i32
    %dma_start3A_30 = tpu.memref_slice %arg2[%dma_start3A_28, %add3A_27, %dma_start3A_29] : memref<4x4096x1024xf32, #tpu.memory_space<hbm>> -> memref<1x16x1024xf32, #tpu.memory_space<hbm>>
    %dma_start3A_31 = tpu.memref_squeeze %dma_start3A_30 : memref<1x16x1024xf32, #tpu.memory_space<hbm>> -> memref<16x1024xf32, #tpu.memory_space<hbm>>
    %dma_start3A_32 = arith.constant 0 : i32
    %dma_start3A_33 = tpu.memref_slice %arg2[%dma_start3A_28, %add3A_27, %dma_start3A_32] : memref<4x4096x1024xf32, #tpu.memory_space<hbm>> -> memref<1x16x1024xf32, #tpu.memory_space<hbm>>
    %dma_start3A_34 = tpu.memref_squeeze %dma_start3A_33 : memref<1x16x1024xf32, #tpu.memory_space<hbm>> -> memref<16x1024xf32, #tpu.memory_space<hbm>>
    tpu.enqueue_dma source(%dma_start3A_34 : memref<16x1024xf32, #tpu.memory_space<hbm>>) target(%arg9 : memref<16x1024xf32, #tpu.memory_space<vmem>>) target_semaphore(%arg15 : memref<!tpu.dma_semaphore, #tpu.memory_space<semaphore_mem>>)
    %scan3A = arith.constant 0 : i32
    %scan3A_35 = arith.constant 0 : i32
    %scan3A_36 = arith.constant 4 : i32
    %scan3A_37 = arith.addi %scan3A_35, %scan3A_36 : i32
    %scan3A_38 = arith.constant 1 : i32
    scf.for %scan3A_75 = %scan3A_35 to %scan3A_37 step %scan3A_38  : i32 {
      %mul3A_76 = arith.constant 2 : i32
      %mul3A_77 = arith.muli %mul3A_76, %scan3A_75 : i32
      %add3A_78 = arith.constant 0 : i32
      %add3A_79 = arith.addi %mul3A_77, %add3A_78 : i32
      %mul3A_80 = arith.constant 16 : i32
      %mul3A_81 = arith.muli %add3A_79, %mul3A_80 : i32
      %add3A_82 = arith.addi %mul3A_2, %mul3A_81 : i32
      %dma_wait3A_83 = arith.constant 0 : i32
      %dma_wait3A_84 = tpu.memref_slice %arg3[%add3A_82, %dma_wait3A_83] : memref<4096x1024xf32, #tpu.memory_space<hbm>> -> memref<16x1024xf32, #tpu.memory_space<hbm>>
      %dma_wait3A_85 = arith.constant 0 : i32
      %dma_wait3A_86 = tpu.memref_slice %arg3[%add3A_82, %dma_wait3A_85] : memref<4096x1024xf32, #tpu.memory_space<hbm>> -> memref<16x1024xf32, #tpu.memory_space<hbm>>
      tpu.wait_dma2 semaphore(%arg11 : memref<!tpu.dma_semaphore, #tpu.memory_space<semaphore_mem>>) src(%dma_wait3A_86 : memref<16x1024xf32, #tpu.memory_space<hbm>>) dst(%arg5 : memref<16x1024xf32, #tpu.memory_space<vmem>>)
      %add3A_87 = arith.constant 1 : i32
      %add3A_88 = arith.addi %add3A_79, %add3A_87 : i32
      %mul3A_89 = arith.constant 16 : i32
      %mul3A_90 = arith.muli %add3A_88, %mul3A_89 : i32
      %add3A_91 = arith.addi %mul3A_2, %mul3A_90 : i32
      %dma_start3A_92 = arith.constant 0 : i32
      %dma_start3A_93 = tpu.memref_slice %arg3[%add3A_91, %dma_start3A_92] : memref<4096x1024xf32, #tpu.memory_space<hbm>> -> memref<16x1024xf32, #tpu.memory_space<hbm>>
      %dma_start3A_94 = arith.constant 0 : i32
      %dma_start3A_95 = tpu.memref_slice %arg3[%add3A_91, %dma_start3A_94] : memref<4096x1024xf32, #tpu.memory_space<hbm>> -> memref<16x1024xf32, #tpu.memory_space<hbm>>
      tpu.enqueue_dma source(%dma_start3A_95 : memref<16x1024xf32, #tpu.memory_space<hbm>>) target(%arg6 : memref<16x1024xf32, #tpu.memory_space<vmem>>) target_semaphore(%arg12 : memref<!tpu.dma_semaphore, #tpu.memory_space<semaphore_mem>>)
      %mul3A_96 = arith.constant 16 : i32
      %mul3A_97 = arith.muli %add3A_79, %mul3A_96 : i32
      %add3A_98 = arith.addi %mul3A_2, %mul3A_97 : i32
      %dma_wait3A_99 = arith.constant 0 : i32
      %dma_wait3A_100 = arith.constant 0 : i32
      %dma_wait3A_101 = tpu.memref_slice %arg2[%dma_wait3A_99, %add3A_98, %dma_wait3A_100] : memref<4x4096x1024xf32, #tpu.memory_space<hbm>> -> memref<1x16x1024xf32, #tpu.memory_space<hbm>>
      %dma_wait3A_102 = tpu.memref_squeeze %dma_wait3A_101 : memref<1x16x1024xf32, #tpu.memory_space<hbm>> -> memref<16x1024xf32, #tpu.memory_space<hbm>>
      %dma_wait3A_103 = arith.constant 0 : i32
      %dma_wait3A_104 = tpu.memref_slice %arg2[%dma_wait3A_99, %add3A_98, %dma_wait3A_103] : memref<4x4096x1024xf32, #tpu.memory_space<hbm>> -> memref<1x16x1024xf32, #tpu.memory_space<hbm>>
      %dma_wait3A_105 = tpu.memref_squeeze %dma_wait3A_104 : memref<1x16x1024xf32, #tpu.memory_space<hbm>> -> memref<16x1024xf32, #tpu.memory_space<hbm>>
      tpu.wait_dma2 semaphore(%arg13 : memref<!tpu.dma_semaphore, #tpu.memory_space<semaphore_mem>>) src(%dma_wait3A_105 : memref<16x1024xf32, #tpu.memory_space<hbm>>) dst(%arg7 : memref<16x1024xf32, #tpu.memory_space<vmem>>)
      %parallel_loop3A = arith.constant 0 : i32
      %parallel_loop3A_106 = arith.constant 1024 : i32
      %parallel_loop3A_107 = arith.constant 1 : i32
      scf.for %parallel_loop3A_488 = %parallel_loop3A to %parallel_loop3A_106 step %parallel_loop3A_107  : i32 {
        %parallel_loop3A_489 = arith.constant 64 : i32
        %parallel_loop3A_490 = arith.divsi %parallel_loop3A_488, %parallel_loop3A_489 : i32
        %parallel_loop3A_491 = arith.constant 0 : i32
        %parallel_loop3A_492 = arith.cmpi sgt, %parallel_loop3A_488, %parallel_loop3A_491 : i32
        %parallel_loop3A_493 = arith.extui %parallel_loop3A_492 : i1 to i32
        %parallel_loop3A_494 = arith.constant 0 : i32
        %parallel_loop3A_495 = arith.cmpi slt, %parallel_loop3A_488, %parallel_loop3A_494 : i32
        %parallel_loop3A_496 = arith.extui %parallel_loop3A_495 : i1 to i32
        %parallel_loop3A_497 = arith.subi %parallel_loop3A_493, %parallel_loop3A_496 : i32
        %parallel_loop3A_498 = arith.constant 0 : i32
        %parallel_loop3A_499 = arith.cmpi sgt, %parallel_loop3A_489, %parallel_loop3A_498 : i32
        %parallel_loop3A_500 = arith.extui %parallel_loop3A_499 : i1 to i32
        %parallel_loop3A_501 = arith.constant 0 : i32
        %parallel_loop3A_502 = arith.cmpi slt, %parallel_loop3A_489, %parallel_loop3A_501 : i32
        %parallel_loop3A_503 = arith.extui %parallel_loop3A_502 : i1 to i32
        %parallel_loop3A_504 = arith.subi %parallel_loop3A_500, %parallel_loop3A_503 : i32
        %parallel_loop3A_505 = arith.cmpi ne, %parallel_loop3A_497, %parallel_loop3A_504 : i32
        %parallel_loop3A_506 = arith.remsi %parallel_loop3A_488, %parallel_loop3A_489 : i32
        %parallel_loop3A_507 = arith.constant 0 : i32
        %parallel_loop3A_508 = arith.cmpi ne, %parallel_loop3A_506, %parallel_loop3A_507 : i32
        %parallel_loop3A_509 = arith.andi %parallel_loop3A_505, %parallel_loop3A_508 : i1
        %parallel_loop3A_510 = arith.constant 1 : i32
        %parallel_loop3A_511 = arith.subi %parallel_loop3A_490, %parallel_loop3A_510 : i32
        %parallel_loop3A_512 = arith.select %parallel_loop3A_509, %parallel_loop3A_511, %parallel_loop3A_490 : i32
        %parallel_loop3A_513 = arith.constant 64 : i32
        %parallel_loop3A_514 = arith.constant 0 : i32
        %parallel_loop3A_515 = arith.cmpi eq, %parallel_loop3A_513, %parallel_loop3A_514 : i32
        %parallel_loop3A_516 = arith.constant 1 : i32
        %parallel_loop3A_517 = arith.select %parallel_loop3A_515, %parallel_loop3A_516, %parallel_loop3A_513 : i32
        %parallel_loop3A_518 = arith.remsi %parallel_loop3A_488, %parallel_loop3A_517 : i32
        %parallel_loop3A_519 = arith.constant 0 : i32
        %parallel_loop3A_520 = arith.cmpi ne, %parallel_loop3A_518, %parallel_loop3A_519 : i32
        %parallel_loop3A_521 = arith.constant 0 : i32
        %parallel_loop3A_522 = arith.cmpi slt, %parallel_loop3A_518, %parallel_loop3A_521 : i32
        %parallel_loop3A_523 = arith.constant 0 : i32
        %parallel_loop3A_524 = arith.cmpi slt, %parallel_loop3A_517, %parallel_loop3A_523 : i32
        %parallel_loop3A_525 = arith.xori %parallel_loop3A_522, %parallel_loop3A_524 : i1
        %parallel_loop3A_526 = arith.andi %parallel_loop3A_525, %parallel_loop3A_520 : i1
        %parallel_loop3A_527 = arith.addi %parallel_loop3A_518, %parallel_loop3A_517 : i32
        %parallel_loop3A_528 = arith.select %parallel_loop3A_526, %parallel_loop3A_527, %parallel_loop3A_518 : i32
        %parallel_loop3A_529 = arith.constant 16 : i32
        %parallel_loop3A_530 = arith.muli %parallel_loop3A_528, %parallel_loop3A_529 : i32
        %parallel_loop3A_531 = arith.index_cast %parallel_loop3A_512 : i32 to index
        %parallel_loop3A_532 = arith.index_cast %parallel_loop3A_530 : i32 to index
        %parallel_loop3A_533 = tpu.vector_load %arg5[%parallel_loop3A_531, %parallel_loop3A_532] {strides = array<i32>} : memref<16x1024xf32, #tpu.memory_space<vmem>>, vector<1x16xf32>,
        %parallel_loop3A_534 = vector.shape_cast %parallel_loop3A_533 : vector<1x16xf32> to vector<16xf32>
        %parallel_loop3A_535 = arith.index_cast %parallel_loop3A_512 : i32 to index
        %parallel_loop3A_536 = arith.index_cast %parallel_loop3A_530 : i32 to index
        %parallel_loop3A_537 = tpu.vector_load %arg7[%parallel_loop3A_535, %parallel_loop3A_536] {strides = array<i32>} : memref<16x1024xf32, #tpu.memory_space<vmem>>, vector<1x16xf32>,
        %parallel_loop3A_538 = vector.shape_cast %parallel_loop3A_537 : vector<1x16xf32> to vector<16xf32>
        %parallel_loop3A_539 = vector.shape_cast %parallel_loop3A_534 : vector<16xf32> to vector<1x16xf32>
        tpu.vector_store %arg7[%parallel_loop3A_535, %parallel_loop3A_536], %parallel_loop3A_539 {add = true, strides = array<i32>} : memref<16x1024xf32, #tpu.memory_space<vmem>>, vector<1x16xf32>,
      } {sc.loop_unroll_factor = 4 : i64, sc.parallel_access}
      %mul3A_108 = arith.constant 16 : i32
      %mul3A_109 = arith.muli %add3A_79, %mul3A_108 : i32
      %add3A_110 = arith.addi %mul3A_2, %mul3A_109 : i32
      %dma_start3A_111 = arith.constant 0 : i32
      %dma_start3A_112 = arith.constant 0 : i32
      %dma_start3A_113 = tpu.memref_slice %arg4[%dma_start3A_111, %add3A_110, %dma_start3A_112] : memref<4x4096x1024xf32, #tpu.memory_space<hbm>> -> memref<1x16x1024xf32, #tpu.memory_space<hbm>>
      %dma_start3A_114 = tpu.memref_squeeze %dma_start3A_113 : memref<1x16x1024xf32, #tpu.memory_space<hbm>> -> memref<16x1024xf32, #tpu.memory_space<hbm>>
      %dma_start3A_115 = arith.constant 0 : i32
      %dma_start3A_116 = tpu.memref_slice %arg4[%dma_start3A_111, %add3A_110, %dma_start3A_115] : memref<4x4096x1024xf32, #tpu.memory_space<hbm>> -> memref<1x16x1024xf32, #tpu.memory_space<hbm>>
      %dma_start3A_117 = tpu.memref_squeeze %dma_start3A_116 : memref<1x16x1024xf32, #tpu.memory_space<hbm>> -> memref<16x1024xf32, #tpu.memory_space<hbm>>
      tpu.enqueue_dma source(%arg7 : memref<16x1024xf32, #tpu.memory_space<vmem>>) target(%dma_start3A_117 : memref<16x1024xf32, #tpu.memory_space<hbm>>) target_semaphore(%arg17 : memref<!tpu.dma_semaphore, #tpu.memory_space<semaphore_mem>>)
      %mul3A_118 = arith.constant 2 : i32
      %mul3A_119 = arith.muli %mul3A_118, %scan3A_75 : i32
      %sub3A = arith.constant 1 : i32
      %sub3A_120 = arith.subi %mul3A_119, %sub3A : i32
      %mul3A_121 = arith.constant 2 : i32
      %mul3A_122 = arith.muli %mul3A_121, %scan3A_75 : i32
      %add3A_123 = arith.constant 0 : i32
      %add3A_124 = arith.addi %mul3A_122, %add3A_123 : i32
      %ge3A = arith.constant 1 : i32
      %ge3A_125 = arith.cmpi sge, %scan3A_75, %ge3A : i32
      %convert_element_type3A = arith.extui %ge3A_125 : i1 to i32
      %cond3A = arith.constant 0 : i32
      %cond3A_126 = arith.cmpi ne, %convert_element_type3A, %cond3A : i32
      scf.if %cond3A_126 {
        %mul3A_488 = arith.constant 16 : i32
        %mul3A_489 = arith.muli %sub3A_120, %mul3A_488 : i32
        %add3A_490 = arith.addi %mul3A_2, %mul3A_489 : i32
        %dma_wait3A_491 = arith.constant 3 : i32
        %dma_wait3A_492 = arith.constant 0 : i32
        %dma_wait3A_493 = tpu.memref_slice %arg4[%dma_wait3A_491, %add3A_490, %dma_wait3A_492] : memref<4x4096x1024xf32, #tpu.memory_space<hbm>> -> memref<1x16x1024xf32, #tpu.memory_space<hbm>>
        %dma_wait3A_494 = tpu.memref_squeeze %dma_wait3A_493 : memref<1x16x1024xf32, #tpu.memory_space<hbm>> -> memref<16x1024xf32, #tpu.memory_space<hbm>>
        %dma_wait3A_495 = arith.constant 0 : i32
        %dma_wait3A_496 = tpu.memref_slice %arg4[%dma_wait3A_491, %add3A_490, %dma_wait3A_495] : memref<4x4096x1024xf32, #tpu.memory_space<hbm>> -> memref<1x16x1024xf32, #tpu.memory_space<hbm>>
        %dma_wait3A_497 = tpu.memref_squeeze %dma_wait3A_496 : memref<1x16x1024xf32, #tpu.memory_space<hbm>> -> memref<16x1024xf32, #tpu.memory_space<hbm>>
        tpu.wait_dma2 semaphore(%arg20 : memref<!tpu.dma_semaphore, #tpu.memory_space<semaphore_mem>>) src(%arg10 : memref<16x1024xf32, #tpu.memory_space<vmem>>) dst(%dma_wait3A_497 : memref<16x1024xf32, #tpu.memory_space<hbm>>)
      } else {
      }
      %mul3A_127 = arith.constant 16 : i32
      %mul3A_128 = arith.muli %add3A_124, %mul3A_127 : i32
      %add3A_129 = arith.addi %mul3A_2, %mul3A_128 : i32
      %dma_start3A_130 = arith.constant 3 : i32
      %dma_start3A_131 = arith.constant 0 : i32
      %dma_start3A_132 = tpu.memref_slice %arg2[%dma_start3A_130, %add3A_129, %dma_start3A_131] : memref<4x4096x1024xf32, #tpu.memory_space<hbm>> -> memref<1x16x1024xf32, #tpu.memory_space<hbm>>
      %dma_start3A_133 = tpu.memref_squeeze %dma_start3A_132 : memref<1x16x1024xf32, #tpu.memory_space<hbm>> -> memref<16x1024xf32, #tpu.memory_space<hbm>>
      %dma_start3A_134 = arith.constant 0 : i32
      %dma_start3A_135 = tpu.memref_slice %arg2[%dma_start3A_130, %add3A_129, %dma_start3A_134] : memref<4x4096x1024xf32, #tpu.memory_space<hbm>> -> memref<1x16x1024xf32, #tpu.memory_space<hbm>>
      %dma_start3A_136 = tpu.memref_squeeze %dma_start3A_135 : memref<1x16x1024xf32, #tpu.memory_space<hbm>> -> memref<16x1024xf32, #tpu.memory_space<hbm>>
      tpu.enqueue_dma source(%dma_start3A_136 : memref<16x1024xf32, #tpu.memory_space<hbm>>) target(%arg10 : memref<16x1024xf32, #tpu.memory_space<vmem>>) target_semaphore(%arg16 : memref<!tpu.dma_semaphore, #tpu.memory_space<semaphore_mem>>)
      %mul3A_137 = arith.constant 2 : i32
      %mul3A_138 = arith.muli %mul3A_137, %scan3A_75 : i32
      %add3A_139 = arith.constant 0 : i32
      %add3A_140 = arith.addi %mul3A_138, %add3A_139 : i32
      %mul3A_141 = arith.constant 16 : i32
      %mul3A_142 = arith.muli %add3A_140, %mul3A_141 : i32
      %add3A_143 = arith.addi %mul3A_2, %mul3A_142 : i32
      %dma_wait3A_144 = arith.constant 1 : i32
      %dma_wait3A_145 = arith.constant 0 : i32
      %dma_wait3A_146 = tpu.memref_slice %arg2[%dma_wait3A_144, %add3A_143, %dma_wait3A_145] : memref<4x4096x1024xf32, #tpu.memory_space<hbm>> -> memref<1x16x1024xf32, #tpu.memory_space<hbm>>
      %dma_wait3A_147 = tpu.memref_squeeze %dma_wait3A_146 : memref<1x16x1024xf32, #tpu.memory_space<hbm>> -> memref<16x1024xf32, #tpu.memory_space<hbm>>
      %dma_wait3A_148 = arith.constant 0 : i32
      %dma_wait3A_149 = tpu.memref_slice %arg2[%dma_wait3A_144, %add3A_143, %dma_wait3A_148] : memref<4x4096x1024xf32, #tpu.memory_space<hbm>> -> memref<1x16x1024xf32, #tpu.memory_space<hbm>>
      %dma_wait3A_150 = tpu.memref_squeeze %dma_wait3A_149 : memref<1x16x1024xf32, #tpu.memory_space<hbm>> -> memref<16x1024xf32, #tpu.memory_space<hbm>>
      tpu.wait_dma2 semaphore(%arg14 : memref<!tpu.dma_semaphore, #tpu.memory_space<semaphore_mem>>) src(%dma_wait3A_150 : memref<16x1024xf32, #tpu.memory_space<hbm>>) dst(%arg8 : memref<16x1024xf32, #tpu.memory_space<vmem>>)
      %parallel_loop3A_151 = arith.constant 0 : i32
      %parallel_loop3A_152 = arith.constant 1024 : i32
      %parallel_loop3A_153 = arith.constant 1 : i32
      scf.for %parallel_loop3A_488 = %parallel_loop3A_151 to %parallel_loop3A_152 step %parallel_loop3A_153  : i32 {
        %parallel_loop3A_489 = arith.constant 64 : i32
        %parallel_loop3A_490 = arith.divsi %parallel_loop3A_488, %parallel_loop3A_489 : i32
        %parallel_loop3A_491 = arith.constant 0 : i32
        %parallel_loop3A_492 = arith.cmpi sgt, %parallel_loop3A_488, %parallel_loop3A_491 : i32
        %parallel_loop3A_493 = arith.extui %parallel_loop3A_492 : i1 to i32
        %parallel_loop3A_494 = arith.constant 0 : i32
        %parallel_loop3A_495 = arith.cmpi slt, %parallel_loop3A_488, %parallel_loop3A_494 : i32
        %parallel_loop3A_496 = arith.extui %parallel_loop3A_495 : i1 to i32
        %parallel_loop3A_497 = arith.subi %parallel_loop3A_493, %parallel_loop3A_496 : i32
        %parallel_loop3A_498 = arith.constant 0 : i32
        %parallel_loop3A_499 = arith.cmpi sgt, %parallel_loop3A_489, %parallel_loop3A_498 : i32
        %parallel_loop3A_500 = arith.extui %parallel_loop3A_499 : i1 to i32
        %parallel_loop3A_501 = arith.constant 0 : i32
        %parallel_loop3A_502 = arith.cmpi slt, %parallel_loop3A_489, %parallel_loop3A_501 : i32
        %parallel_loop3A_503 = arith.extui %parallel_loop3A_502 : i1 to i32
        %parallel_loop3A_504 = arith.subi %parallel_loop3A_500, %parallel_loop3A_503 : i32
        %parallel_loop3A_505 = arith.cmpi ne, %parallel_loop3A_497, %parallel_loop3A_504 : i32
        %parallel_loop3A_506 = arith.remsi %parallel_loop3A_488, %parallel_loop3A_489 : i32
        %parallel_loop3A_507 = arith.constant 0 : i32
        %parallel_loop3A_508 = arith.cmpi ne, %parallel_loop3A_506, %parallel_loop3A_507 : i32
        %parallel_loop3A_509 = arith.andi %parallel_loop3A_505, %parallel_loop3A_508 : i1
        %parallel_loop3A_510 = arith.constant 1 : i32
        %parallel_loop3A_511 = arith.subi %parallel_loop3A_490, %parallel_loop3A_510 : i32
        %parallel_loop3A_512 = arith.select %parallel_loop3A_509, %parallel_loop3A_511, %parallel_loop3A_490 : i32
        %parallel_loop3A_513 = arith.constant 64 : i32
        %parallel_loop3A_514 = arith.constant 0 : i32
        %parallel_loop3A_515 = arith.cmpi eq, %parallel_loop3A_513, %parallel_loop3A_514 : i32
        %parallel_loop3A_516 = arith.constant 1 : i32
        %parallel_loop3A_517 = arith.select %parallel_loop3A_515, %parallel_loop3A_516, %parallel_loop3A_513 : i32
        %parallel_loop3A_518 = arith.remsi %parallel_loop3A_488, %parallel_loop3A_517 : i32
        %parallel_loop3A_519 = arith.constant 0 : i32
        %parallel_loop3A_520 = arith.cmpi ne, %parallel_loop3A_518, %parallel_loop3A_519 : i32
        %parallel_loop3A_521 = arith.constant 0 : i32
        %parallel_loop3A_522 = arith.cmpi slt, %parallel_loop3A_518, %parallel_loop3A_521 : i32
        %parallel_loop3A_523 = arith.constant 0 : i32
        %parallel_loop3A_524 = arith.cmpi slt, %parallel_loop3A_517, %parallel_loop3A_523 : i32
        %parallel_loop3A_525 = arith.xori %parallel_loop3A_522, %parallel_loop3A_524 : i1
        %parallel_loop3A_526 = arith.andi %parallel_loop3A_525, %parallel_loop3A_520 : i1
        %parallel_loop3A_527 = arith.addi %parallel_loop3A_518, %parallel_loop3A_517 : i32
        %parallel_loop3A_528 = arith.select %parallel_loop3A_526, %parallel_loop3A_527, %parallel_loop3A_518 : i32
        %parallel_loop3A_529 = arith.constant 16 : i32
        %parallel_loop3A_530 = arith.muli %parallel_loop3A_528, %parallel_loop3A_529 : i32
        %parallel_loop3A_531 = arith.index_cast %parallel_loop3A_512 : i32 to index
        %parallel_loop3A_532 = arith.index_cast %parallel_loop3A_530 : i32 to index
        %parallel_loop3A_533 = tpu.vector_load %arg5[%parallel_loop3A_531, %parallel_loop3A_532] {strides = array<i32>} : memref<16x1024xf32, #tpu.memory_space<vmem>>, vector<1x16xf32>,
        %parallel_loop3A_534 = vector.shape_cast %parallel_loop3A_533 : vector<1x16xf32> to vector<16xf32>
        %parallel_loop3A_535 = arith.index_cast %parallel_loop3A_512 : i32 to index
        %parallel_loop3A_536 = arith.index_cast %parallel_loop3A_530 : i32 to index
        %parallel_loop3A_537 = tpu.vector_load %arg8[%parallel_loop3A_535, %parallel_loop3A_536] {strides = array<i32>} : memref<16x1024xf32, #tpu.memory_space<vmem>>, vector<1x16xf32>,
        %parallel_loop3A_538 = vector.shape_cast %parallel_loop3A_537 : vector<1x16xf32> to vector<16xf32>
        %parallel_loop3A_539 = vector.shape_cast %parallel_loop3A_534 : vector<16xf32> to vector<1x16xf32>
        tpu.vector_store %arg8[%parallel_loop3A_535, %parallel_loop3A_536], %parallel_loop3A_539 {add = true, strides = array<i32>} : memref<16x1024xf32, #tpu.memory_space<vmem>>, vector<1x16xf32>,
      } {sc.loop_unroll_factor = 4 : i64, sc.parallel_access}
      %mul3A_154 = arith.constant 16 : i32
      %mul3A_155 = arith.muli %add3A_140, %mul3A_154 : i32
      %add3A_156 = arith.addi %mul3A_2, %mul3A_155 : i32
      %dma_start3A_157 = arith.constant 1 : i32
      %dma_start3A_158 = arith.constant 0 : i32
      %dma_start3A_159 = tpu.memref_slice %arg4[%dma_start3A_157, %add3A_156, %dma_start3A_158] : memref<4x4096x1024xf32, #tpu.memory_space<hbm>> -> memref<1x16x1024xf32, #tpu.memory_space<hbm>>
      %dma_start3A_160 = tpu.memref_squeeze %dma_start3A_159 : memref<1x16x1024xf32, #tpu.memory_space<hbm>> -> memref<16x1024xf32, #tpu.memory_space<hbm>>
      %dma_start3A_161 = arith.constant 0 : i32
      %dma_start3A_162 = tpu.memref_slice %arg4[%dma_start3A_157, %add3A_156, %dma_start3A_161] : memref<4x4096x1024xf32, #tpu.memory_space<hbm>> -> memref<1x16x1024xf32, #tpu.memory_space<hbm>>
      %dma_start3A_163 = tpu.memref_squeeze %dma_start3A_162 : memref<1x16x1024xf32, #tpu.memory_space<hbm>> -> memref<16x1024xf32, #tpu.memory_space<hbm>>
      tpu.enqueue_dma source(%arg8 : memref<16x1024xf32, #tpu.memory_space<vmem>>) target(%dma_start3A_163 : memref<16x1024xf32, #tpu.memory_space<hbm>>) target_semaphore(%arg18 : memref<!tpu.dma_semaphore, #tpu.memory_space<semaphore_mem>>)
      %mul3A_164 = arith.constant 2 : i32
      %mul3A_165 = arith.muli %mul3A_164, %scan3A_75 : i32
      %add3A_166 = arith.constant 0 : i32
      %add3A_167 = arith.addi %mul3A_165, %add3A_166 : i32
      %mul3A_168 = arith.constant 2 : i32
      %mul3A_169 = arith.muli %mul3A_168, %scan3A_75 : i32
      %add3A_170 = arith.constant 1 : i32
      %add3A_171 = arith.addi %mul3A_169, %add3A_170 : i32
      %mul3A_172 = arith.constant 16 : i32
      %mul3A_173 = arith.muli %add3A_167, %mul3A_172 : i32
      %add3A_174 = arith.addi %mul3A_2, %mul3A_173 : i32
      %dma_wait3A_175 = arith.constant 0 : i32
      %dma_wait3A_176 = arith.constant 0 : i32
      %dma_wait3A_177 = tpu.memref_slice %arg4[%dma_wait3A_175, %add3A_174, %dma_wait3A_176] : memref<4x4096x1024xf32, #tpu.memory_space<hbm>> -> memref<1x16x1024xf32, #tpu.memory_space<hbm>>
      %dma_wait3A_178 = tpu.memref_squeeze %dma_wait3A_177 : memref<1x16x1024xf32, #tpu.memory_space<hbm>> -> memref<16x1024xf32, #tpu.memory_space<hbm>>
      %dma_wait3A_179 = arith.constant 0 : i32
      %dma_wait3A_180 = tpu.memref_slice %arg4[%dma_wait3A_175, %add3A_174, %dma_wait3A_179] : memref<4x4096x1024xf32, #tpu.memory_space<hbm>> -> memref<1x16x1024xf32, #tpu.memory_space<hbm>>
      %dma_wait3A_181 = tpu.memref_squeeze %dma_wait3A_180 : memref<1x16x1024xf32, #tpu.memory_space<hbm>> -> memref<16x1024xf32, #tpu.memory_space<hbm>>
      tpu.wait_dma2 semaphore(%arg17 : memref<!tpu.dma_semaphore, #tpu.memory_space<semaphore_mem>>) src(%arg7 : memref<16x1024xf32, #tpu.memory_space<vmem>>) dst(%dma_wait3A_181 : memref<16x1024xf32, #tpu.memory_space<hbm>>)
      %mul3A_182 = arith.constant 16 : i32
      %mul3A_183 = arith.muli %add3A_171, %mul3A_182 : i32
      %add3A_184 = arith.addi %mul3A_2, %mul3A_183 : i32
      %dma_start3A_185 = arith.constant 0 : i32
      %dma_start3A_186 = arith.constant 0 : i32
      %dma_start3A_187 = tpu.memref_slice %arg2[%dma_start3A_185, %add3A_184, %dma_start3A_186] : memref<4x4096x1024xf32, #tpu.memory_space<hbm>> -> memref<1x16x1024xf32, #tpu.memory_space<hbm>>
      %dma_start3A_188 = tpu.memref_squeeze %dma_start3A_187 : memref<1x16x1024xf32, #tpu.memory_space<hbm>> -> memref<16x1024xf32, #tpu.memory_space<hbm>>
      %dma_start3A_189 = arith.constant 0 : i32
      %dma_start3A_190 = tpu.memref_slice %arg2[%dma_start3A_185, %add3A_184, %dma_start3A_189] : memref<4x4096x1024xf32, #tpu.memory_space<hbm>> -> memref<1x16x1024xf32, #tpu.memory_space<hbm>>
      %dma_start3A_191 = tpu.memref_squeeze %dma_start3A_190 : memref<1x16x1024xf32, #tpu.memory_space<hbm>> -> memref<16x1024xf32, #tpu.memory_space<hbm>>
      tpu.enqueue_dma source(%dma_start3A_191 : memref<16x1024xf32, #tpu.memory_space<hbm>>) target(%arg7 : memref<16x1024xf32, #tpu.memory_space<vmem>>) target_semaphore(%arg13 : memref<!tpu.dma_semaphore, #tpu.memory_space<semaphore_mem>>)
      %mul3A_192 = arith.constant 2 : i32
      %mul3A_193 = arith.muli %mul3A_192, %scan3A_75 : i32
      %add3A_194 = arith.constant 0 : i32
      %add3A_195 = arith.addi %mul3A_193, %add3A_194 : i32
      %mul3A_196 = arith.constant 16 : i32
      %mul3A_197 = arith.muli %add3A_195, %mul3A_196 : i32
      %add3A_198 = arith.addi %mul3A_2, %mul3A_197 : i32
      %dma_wait3A_199 = arith.constant 2 : i32
      %dma_wait3A_200 = arith.constant 0 : i32
      %dma_wait3A_201 = tpu.memref_slice %arg2[%dma_wait3A_199, %add3A_198, %dma_wait3A_200] : memref<4x4096x1024xf32, #tpu.memory_space<hbm>> -> memref<1x16x1024xf32, #tpu.memory_space<hbm>>
      %dma_wait3A_202 = tpu.memref_squeeze %dma_wait3A_201 : memref<1x16x1024xf32, #tpu.memory_space<hbm>> -> memref<16x1024xf32, #tpu.memory_space<hbm>>
      %dma_wait3A_203 = arith.constant 0 : i32
      %dma_wait3A_204 = tpu.memref_slice %arg2[%dma_wait3A_199, %add3A_198, %dma_wait3A_203] : memref<4x4096x1024xf32, #tpu.memory_space<hbm>> -> memref<1x16x1024xf32, #tpu.memory_space<hbm>>
      %dma_wait3A_205 = tpu.memref_squeeze %dma_wait3A_204 : memref<1x16x1024xf32, #tpu.memory_space<hbm>> -> memref<16x1024xf32, #tpu.memory_space<hbm>>
      tpu.wait_dma2 semaphore(%arg15 : memref<!tpu.dma_semaphore, #tpu.memory_space<semaphore_mem>>) src(%dma_wait3A_205 : memref<16x1024xf32, #tpu.memory_space<hbm>>) dst(%arg9 : memref<16x1024xf32, #tpu.memory_space<vmem>>)
      %parallel_loop3A_206 = arith.constant 0 : i32
      %parallel_loop3A_207 = arith.constant 1024 : i32
      %parallel_loop3A_208 = arith.constant 1 : i32
      scf.for %parallel_loop3A_488 = %parallel_loop3A_206 to %parallel_loop3A_207 step %parallel_loop3A_208  : i32 {
        %parallel_loop3A_489 = arith.constant 64 : i32
        %parallel_loop3A_490 = arith.divsi %parallel_loop3A_488, %parallel_loop3A_489 : i32
        %parallel_loop3A_491 = arith.constant 0 : i32
        %parallel_loop3A_492 = arith.cmpi sgt, %parallel_loop3A_488, %parallel_loop3A_491 : i32
        %parallel_loop3A_493 = arith.extui %parallel_loop3A_492 : i1 to i32
        %parallel_loop3A_494 = arith.constant 0 : i32
        %parallel_loop3A_495 = arith.cmpi slt, %parallel_loop3A_488, %parallel_loop3A_494 : i32
        %parallel_loop3A_496 = arith.extui %parallel_loop3A_495 : i1 to i32
        %parallel_loop3A_497 = arith.subi %parallel_loop3A_493, %parallel_loop3A_496 : i32
        %parallel_loop3A_498 = arith.constant 0 : i32
        %parallel_loop3A_499 = arith.cmpi sgt, %parallel_loop3A_489, %parallel_loop3A_498 : i32
        %parallel_loop3A_500 = arith.extui %parallel_loop3A_499 : i1 to i32
        %parallel_loop3A_501 = arith.constant 0 : i32
        %parallel_loop3A_502 = arith.cmpi slt, %parallel_loop3A_489, %parallel_loop3A_501 : i32
        %parallel_loop3A_503 = arith.extui %parallel_loop3A_502 : i1 to i32
        %parallel_loop3A_504 = arith.subi %parallel_loop3A_500, %parallel_loop3A_503 : i32
        %parallel_loop3A_505 = arith.cmpi ne, %parallel_loop3A_497, %parallel_loop3A_504 : i32
        %parallel_loop3A_506 = arith.remsi %parallel_loop3A_488, %parallel_loop3A_489 : i32
        %parallel_loop3A_507 = arith.constant 0 : i32
        %parallel_loop3A_508 = arith.cmpi ne, %parallel_loop3A_506, %parallel_loop3A_507 : i32
        %parallel_loop3A_509 = arith.andi %parallel_loop3A_505, %parallel_loop3A_508 : i1
        %parallel_loop3A_510 = arith.constant 1 : i32
        %parallel_loop3A_511 = arith.subi %parallel_loop3A_490, %parallel_loop3A_510 : i32
        %parallel_loop3A_512 = arith.select %parallel_loop3A_509, %parallel_loop3A_511, %parallel_loop3A_490 : i32
        %parallel_loop3A_513 = arith.constant 64 : i32
        %parallel_loop3A_514 = arith.constant 0 : i32
        %parallel_loop3A_515 = arith.cmpi eq, %parallel_loop3A_513, %parallel_loop3A_514 : i32
        %parallel_loop3A_516 = arith.constant 1 : i32
        %parallel_loop3A_517 = arith.select %parallel_loop3A_515, %parallel_loop3A_516, %parallel_loop3A_513 : i32
        %parallel_loop3A_518 = arith.remsi %parallel_loop3A_488, %parallel_loop3A_517 : i32
        %parallel_loop3A_519 = arith.constant 0 : i32
        %parallel_loop3A_520 = arith.cmpi ne, %parallel_loop3A_518, %parallel_loop3A_519 : i32
        %parallel_loop3A_521 = arith.constant 0 : i32
        %parallel_loop3A_522 = arith.cmpi slt, %parallel_loop3A_518, %parallel_loop3A_521 : i32
        %parallel_loop3A_523 = arith.constant 0 : i32
        %parallel_loop3A_524 = arith.cmpi slt, %parallel_loop3A_517, %parallel_loop3A_523 : i32
        %parallel_loop3A_525 = arith.xori %parallel_loop3A_522, %parallel_loop3A_524 : i1
        %parallel_loop3A_526 = arith.andi %parallel_loop3A_525, %parallel_loop3A_520 : i1
        %parallel_loop3A_527 = arith.addi %parallel_loop3A_518, %parallel_loop3A_517 : i32
        %parallel_loop3A_528 = arith.select %parallel_loop3A_526, %parallel_loop3A_527, %parallel_loop3A_518 : i32
        %parallel_loop3A_529 = arith.constant 16 : i32
        %parallel_loop3A_530 = arith.muli %parallel_loop3A_528, %parallel_loop3A_529 : i32
        %parallel_loop3A_531 = arith.index_cast %parallel_loop3A_512 : i32 to index
        %parallel_loop3A_532 = arith.index_cast %parallel_loop3A_530 : i32 to index
        %parallel_loop3A_533 = tpu.vector_load %arg5[%parallel_loop3A_531, %parallel_loop3A_532] {strides = array<i32>} : memref<16x1024xf32, #tpu.memory_space<vmem>>, vector<1x16xf32>,
        %parallel_loop3A_534 = vector.shape_cast %parallel_loop3A_533 : vector<1x16xf32> to vector<16xf32>
        %parallel_loop3A_535 = arith.index_cast %parallel_loop3A_512 : i32 to index
        %parallel_loop3A_536 = arith.index_cast %parallel_loop3A_530 : i32 to index
        %parallel_loop3A_537 = tpu.vector_load %arg9[%parallel_loop3A_535, %parallel_loop3A_536] {strides = array<i32>} : memref<16x1024xf32, #tpu.memory_space<vmem>>, vector<1x16xf32>,
        %parallel_loop3A_538 = vector.shape_cast %parallel_loop3A_537 : vector<1x16xf32> to vector<16xf32>
        %parallel_loop3A_539 = vector.shape_cast %parallel_loop3A_534 : vector<16xf32> to vector<1x16xf32>
        tpu.vector_store %arg9[%parallel_loop3A_535, %parallel_loop3A_536], %parallel_loop3A_539 {add = true, strides = array<i32>} : memref<16x1024xf32, #tpu.memory_space<vmem>>, vector<1x16xf32>,
      } {sc.loop_unroll_factor = 4 : i64, sc.parallel_access}
      %mul3A_209 = arith.constant 16 : i32
      %mul3A_210 = arith.muli %add3A_195, %mul3A_209 : i32
      %add3A_211 = arith.addi %mul3A_2, %mul3A_210 : i32
      %dma_start3A_212 = arith.constant 2 : i32
      %dma_start3A_213 = arith.constant 0 : i32
      %dma_start3A_214 = tpu.memref_slice %arg4[%dma_start3A_212, %add3A_211, %dma_start3A_213] : memref<4x4096x1024xf32, #tpu.memory_space<hbm>> -> memref<1x16x1024xf32, #tpu.memory_space<hbm>>
      %dma_start3A_215 = tpu.memref_squeeze %dma_start3A_214 : memref<1x16x1024xf32, #tpu.memory_space<hbm>> -> memref<16x1024xf32, #tpu.memory_space<hbm>>
      %dma_start3A_216 = arith.constant 0 : i32
      %dma_start3A_217 = tpu.memref_slice %arg4[%dma_start3A_212, %add3A_211, %dma_start3A_216] : memref<4x4096x1024xf32, #tpu.memory_space<hbm>> -> memref<1x16x1024xf32, #tpu.memory_space<hbm>>
      %dma_start3A_218 = tpu.memref_squeeze %dma_start3A_217 : memref<1x16x1024xf32, #tpu.memory_space<hbm>> -> memref<16x1024xf32, #tpu.memory_space<hbm>>
      tpu.enqueue_dma source(%arg9 : memref<16x1024xf32, #tpu.memory_space<vmem>>) target(%dma_start3A_218 : memref<16x1024xf32, #tpu.memory_space<hbm>>) target_semaphore(%arg19 : memref<!tpu.dma_semaphore, #tpu.memory_space<semaphore_mem>>)
      %mul3A_219 = arith.constant 2 : i32
      %mul3A_220 = arith.muli %mul3A_219, %scan3A_75 : i32
      %add3A_221 = arith.constant 0 : i32
      %add3A_222 = arith.addi %mul3A_220, %add3A_221 : i32
      %mul3A_223 = arith.constant 2 : i32
      %mul3A_224 = arith.muli %mul3A_223, %scan3A_75 : i32
      %add3A_225 = arith.constant 1 : i32
      %add3A_226 = arith.addi %mul3A_224, %add3A_225 : i32
      %mul3A_227 = arith.constant 16 : i32
      %mul3A_228 = arith.muli %add3A_222, %mul3A_227 : i32
      %add3A_229 = arith.addi %mul3A_2, %mul3A_228 : i32
      %dma_wait3A_230 = arith.constant 1 : i32
      %dma_wait3A_231 = arith.constant 0 : i32
      %dma_wait3A_232 = tpu.memref_slice %arg4[%dma_wait3A_230, %add3A_229, %dma_wait3A_231] : memref<4x4096x1024xf32, #tpu.memory_space<hbm>> -> memref<1x16x1024xf32, #tpu.memory_space<hbm>>
      %dma_wait3A_233 = tpu.memref_squeeze %dma_wait3A_232 : memref<1x16x1024xf32, #tpu.memory_space<hbm>> -> memref<16x1024xf32, #tpu.memory_space<hbm>>
      %dma_wait3A_234 = arith.constant 0 : i32
      %dma_wait3A_235 = tpu.memref_slice %arg4[%dma_wait3A_230, %add3A_229, %dma_wait3A_234] : memref<4x4096x1024xf32, #tpu.memory_space<hbm>> -> memref<1x16x1024xf32, #tpu.memory_space<hbm>>
      %dma_wait3A_236 = tpu.memref_squeeze %dma_wait3A_235 : memref<1x16x1024xf32, #tpu.memory_space<hbm>> -> memref<16x1024xf32, #tpu.memory_space<hbm>>
      tpu.wait_dma2 semaphore(%arg18 : memref<!tpu.dma_semaphore, #tpu.memory_space<semaphore_mem>>) src(%arg8 : memref<16x1024xf32, #tpu.memory_space<vmem>>) dst(%dma_wait3A_236 : memref<16x1024xf32, #tpu.memory_space<hbm>>)
      %mul3A_237 = arith.constant 16 : i32
      %mul3A_238 = arith.muli %add3A_226, %mul3A_237 : i32
      %add3A_239 = arith.addi %mul3A_2, %mul3A_238 : i32
      %dma_start3A_240 = arith.constant 1 : i32
      %dma_start3A_241 = arith.constant 0 : i32
      %dma_start3A_242 = tpu.memref_slice %arg2[%dma_start3A_240, %add3A_239, %dma_start3A_241] : memref<4x4096x1024xf32, #tpu.memory_space<hbm>> -> memref<1x16x1024xf32, #tpu.memory_space<hbm>>
      %dma_start3A_243 = tpu.memref_squeeze %dma_start3A_242 : memref<1x16x1024xf32, #tpu.memory_space<hbm>> -> memref<16x1024xf32, #tpu.memory_space<hbm>>
      %dma_start3A_244 = arith.constant 0 : i32
      %dma_start3A_245 = tpu.memref_slice %arg2[%dma_start3A_240, %add3A_239, %dma_start3A_244] : memref<4x4096x1024xf32, #tpu.memory_space<hbm>> -> memref<1x16x1024xf32, #tpu.memory_space<hbm>>
      %dma_start3A_246 = tpu.memref_squeeze %dma_start3A_245 : memref<1x16x1024xf32, #tpu.memory_space<hbm>> -> memref<16x1024xf32, #tpu.memory_space<hbm>>
      tpu.enqueue_dma source(%dma_start3A_246 : memref<16x1024xf32, #tpu.memory_space<hbm>>) target(%arg8 : memref<16x1024xf32, #tpu.memory_space<vmem>>) target_semaphore(%arg14 : memref<!tpu.dma_semaphore, #tpu.memory_space<semaphore_mem>>)
      %mul3A_247 = arith.constant 2 : i32
      %mul3A_248 = arith.muli %mul3A_247, %scan3A_75 : i32
      %add3A_249 = arith.constant 0 : i32
      %add3A_250 = arith.addi %mul3A_248, %add3A_249 : i32
      %mul3A_251 = arith.constant 16 : i32
      %mul3A_252 = arith.muli %add3A_250, %mul3A_251 : i32
      %add3A_253 = arith.addi %mul3A_2, %mul3A_252 : i32
      %dma_wait3A_254 = arith.constant 3 : i32
      %dma_wait3A_255 = arith.constant 0 : i32
      %dma_wait3A_256 = tpu.memref_slice %arg2[%dma_wait3A_254, %add3A_253, %dma_wait3A_255] : memref<4x4096x1024xf32, #tpu.memory_space<hbm>> -> memref<1x16x1024xf32, #tpu.memory_space<hbm>>
      %dma_wait3A_257 = tpu.memref_squeeze %dma_wait3A_256 : memref<1x16x1024xf32, #tpu.memory_space<hbm>> -> memref<16x1024xf32, #tpu.memory_space<hbm>>
      %dma_wait3A_258 = arith.constant 0 : i32
      %dma_wait3A_259 = tpu.memref_slice %arg2[%dma_wait3A_254, %add3A_253, %dma_wait3A_258] : memref<4x4096x1024xf32, #tpu.memory_space<hbm>> -> memref<1x16x1024xf32, #tpu.memory_space<hbm>>
      %dma_wait3A_260 = tpu.memref_squeeze %dma_wait3A_259 : memref<1x16x1024xf32, #tpu.memory_space<hbm>> -> memref<16x1024xf32, #tpu.memory_space<hbm>>
      tpu.wait_dma2 semaphore(%arg16 : memref<!tpu.dma_semaphore, #tpu.memory_space<semaphore_mem>>) src(%dma_wait3A_260 : memref<16x1024xf32, #tpu.memory_space<hbm>>) dst(%arg10 : memref<16x1024xf32, #tpu.memory_space<vmem>>)
      %parallel_loop3A_261 = arith.constant 0 : i32
      %parallel_loop3A_262 = arith.constant 1024 : i32
      %parallel_loop3A_263 = arith.constant 1 : i32
      scf.for %parallel_loop3A_488 = %parallel_loop3A_261 to %parallel_loop3A_262 step %parallel_loop3A_263  : i32 {
        %parallel_loop3A_489 = arith.constant 64 : i32
        %parallel_loop3A_490 = arith.divsi %parallel_loop3A_488, %parallel_loop3A_489 : i32
        %parallel_loop3A_491 = arith.constant 0 : i32
        %parallel_loop3A_492 = arith.cmpi sgt, %parallel_loop3A_488, %parallel_loop3A_491 : i32
        %parallel_loop3A_493 = arith.extui %parallel_loop3A_492 : i1 to i32
        %parallel_loop3A_494 = arith.constant 0 : i32
        %parallel_loop3A_495 = arith.cmpi slt, %parallel_loop3A_488, %parallel_loop3A_494 : i32
        %parallel_loop3A_496 = arith.extui %parallel_loop3A_495 : i1 to i32
        %parallel_loop3A_497 = arith.subi %parallel_loop3A_493, %parallel_loop3A_496 : i32
        %parallel_loop3A_498 = arith.constant 0 : i32
        %parallel_loop3A_499 = arith.cmpi sgt, %parallel_loop3A_489, %parallel_loop3A_498 : i32
        %parallel_loop3A_500 = arith.extui %parallel_loop3A_499 : i1 to i32
        %parallel_loop3A_501 = arith.constant 0 : i32
        %parallel_loop3A_502 = arith.cmpi slt, %parallel_loop3A_489, %parallel_loop3A_501 : i32
        %parallel_loop3A_503 = arith.extui %parallel_loop3A_502 : i1 to i32
        %parallel_loop3A_504 = arith.subi %parallel_loop3A_500, %parallel_loop3A_503 : i32
        %parallel_loop3A_505 = arith.cmpi ne, %parallel_loop3A_497, %parallel_loop3A_504 : i32
        %parallel_loop3A_506 = arith.remsi %parallel_loop3A_488, %parallel_loop3A_489 : i32
        %parallel_loop3A_507 = arith.constant 0 : i32
        %parallel_loop3A_508 = arith.cmpi ne, %parallel_loop3A_506, %parallel_loop3A_507 : i32
        %parallel_loop3A_509 = arith.andi %parallel_loop3A_505, %parallel_loop3A_508 : i1
        %parallel_loop3A_510 = arith.constant 1 : i32
        %parallel_loop3A_511 = arith.subi %parallel_loop3A_490, %parallel_loop3A_510 : i32
        %parallel_loop3A_512 = arith.select %parallel_loop3A_509, %parallel_loop3A_511, %parallel_loop3A_490 : i32
        %parallel_loop3A_513 = arith.constant 64 : i32
        %parallel_loop3A_514 = arith.constant 0 : i32
        %parallel_loop3A_515 = arith.cmpi eq, %parallel_loop3A_513, %parallel_loop3A_514 : i32
        %parallel_loop3A_516 = arith.constant 1 : i32
        %parallel_loop3A_517 = arith.select %parallel_loop3A_515, %parallel_loop3A_516, %parallel_loop3A_513 : i32
        %parallel_loop3A_518 = arith.remsi %parallel_loop3A_488, %parallel_loop3A_517 : i32
        %parallel_loop3A_519 = arith.constant 0 : i32
        %parallel_loop3A_520 = arith.cmpi ne, %parallel_loop3A_518, %parallel_loop3A_519 : i32
        %parallel_loop3A_521 = arith.constant 0 : i32
        %parallel_loop3A_522 = arith.cmpi slt, %parallel_loop3A_518, %parallel_loop3A_521 : i32
        %parallel_loop3A_523 = arith.constant 0 : i32
        %parallel_loop3A_524 = arith.cmpi slt, %parallel_loop3A_517, %parallel_loop3A_523 : i32
        %parallel_loop3A_525 = arith.xori %parallel_loop3A_522, %parallel_loop3A_524 : i1
        %parallel_loop3A_526 = arith.andi %parallel_loop3A_525, %parallel_loop3A_520 : i1
        %parallel_loop3A_527 = arith.addi %parallel_loop3A_518, %parallel_loop3A_517 : i32
        %parallel_loop3A_528 = arith.select %parallel_loop3A_526, %parallel_loop3A_527, %parallel_loop3A_518 : i32
        %parallel_loop3A_529 = arith.constant 16 : i32
        %parallel_loop3A_530 = arith.muli %parallel_loop3A_528, %parallel_loop3A_529 : i32
        %parallel_loop3A_531 = arith.index_cast %parallel_loop3A_512 : i32 to index
        %parallel_loop3A_532 = arith.index_cast %parallel_loop3A_530 : i32 to index
        %parallel_loop3A_533 = tpu.vector_load %arg5[%parallel_loop3A_531, %parallel_loop3A_532] {strides = array<i32>} : memref<16x1024xf32, #tpu.memory_space<vmem>>, vector<1x16xf32>,
        %parallel_loop3A_534 = vector.shape_cast %parallel_loop3A_533 : vector<1x16xf32> to vector<16xf32>
        %parallel_loop3A_535 = arith.index_cast %parallel_loop3A_512 : i32 to index
        %parallel_loop3A_536 = arith.index_cast %parallel_loop3A_530 : i32 to index
        %parallel_loop3A_537 = tpu.vector_load %arg10[%parallel_loop3A_535, %parallel_loop3A_536] {strides = array<i32>} : memref<16x1024xf32, #tpu.memory_space<vmem>>, vector<1x16xf32>,
        %parallel_loop3A_538 = vector.shape_cast %parallel_loop3A_537 : vector<1x16xf32> to vector<16xf32>
        %parallel_loop3A_539 = vector.shape_cast %parallel_loop3A_534 : vector<16xf32> to vector<1x16xf32>
        tpu.vector_store %arg10[%parallel_loop3A_535, %parallel_loop3A_536], %parallel_loop3A_539 {add = true, strides = array<i32>} : memref<16x1024xf32, #tpu.memory_space<vmem>>, vector<1x16xf32>,
      } {sc.loop_unroll_factor = 4 : i64, sc.parallel_access}
      %mul3A_264 = arith.constant 16 : i32
      %mul3A_265 = arith.muli %add3A_250, %mul3A_264 : i32
      %add3A_266 = arith.addi %mul3A_2, %mul3A_265 : i32
      %dma_start3A_267 = arith.constant 3 : i32
      %dma_start3A_268 = arith.constant 0 : i32
      %dma_start3A_269 = tpu.memref_slice %arg4[%dma_start3A_267, %add3A_266, %dma_start3A_268] : memref<4x4096x1024xf32, #tpu.memory_space<hbm>> -> memref<1x16x1024xf32, #tpu.memory_space<hbm>>
      %dma_start3A_270 = tpu.memref_squeeze %dma_start3A_269 : memref<1x16x1024xf32, #tpu.memory_space<hbm>> -> memref<16x1024xf32, #tpu.memory_space<hbm>>
      %dma_start3A_271 = arith.constant 0 : i32
      %dma_start3A_272 = tpu.memref_slice %arg4[%dma_start3A_267, %add3A_266, %dma_start3A_271] : memref<4x4096x1024xf32, #tpu.memory_space<hbm>> -> memref<1x16x1024xf32, #tpu.memory_space<hbm>>
      %dma_start3A_273 = tpu.memref_squeeze %dma_start3A_272 : memref<1x16x1024xf32, #tpu.memory_space<hbm>> -> memref<16x1024xf32, #tpu.memory_space<hbm>>
      tpu.enqueue_dma source(%arg10 : memref<16x1024xf32, #tpu.memory_space<vmem>>) target(%dma_start3A_273 : memref<16x1024xf32, #tpu.memory_space<hbm>>) target_semaphore(%arg20 : memref<!tpu.dma_semaphore, #tpu.memory_space<semaphore_mem>>)
      %mul3A_274 = arith.constant 2 : i32
      %mul3A_275 = arith.muli %mul3A_274, %scan3A_75 : i32
      %add3A_276 = arith.constant 0 : i32
      %add3A_277 = arith.addi %mul3A_275, %add3A_276 : i32
      %mul3A_278 = arith.constant 2 : i32
      %mul3A_279 = arith.muli %mul3A_278, %scan3A_75 : i32
      %add3A_280 = arith.constant 1 : i32
      %add3A_281 = arith.addi %mul3A_279, %add3A_280 : i32
      %mul3A_282 = arith.constant 16 : i32
      %mul3A_283 = arith.muli %add3A_277, %mul3A_282 : i32
      %add3A_284 = arith.addi %mul3A_2, %mul3A_283 : i32
      %dma_wait3A_285 = arith.constant 2 : i32
      %dma_wait3A_286 = arith.constant 0 : i32
      %dma_wait3A_287 = tpu.memref_slice %arg4[%dma_wait3A_285, %add3A_284, %dma_wait3A_286] : memref<4x4096x1024xf32, #tpu.memory_space<hbm>> -> memref<1x16x1024xf32, #tpu.memory_space<hbm>>
      %dma_wait3A_288 = tpu.memref_squeeze %dma_wait3A_287 : memref<1x16x1024xf32, #tpu.memory_space<hbm>> -> memref<16x1024xf32, #tpu.memory_space<hbm>>
      %dma_wait3A_289 = arith.constant 0 : i32
      %dma_wait3A_290 = tpu.memref_slice %arg4[%dma_wait3A_285, %add3A_284, %dma_wait3A_289] : memref<4x4096x1024xf32, #tpu.memory_space<hbm>> -> memref<1x16x1024xf32, #tpu.memory_space<hbm>>
      %dma_wait3A_291 = tpu.memref_squeeze %dma_wait3A_290 : memref<1x16x1024xf32, #tpu.memory_space<hbm>> -> memref<16x1024xf32, #tpu.memory_space<hbm>>
      tpu.wait_dma2 semaphore(%arg19 : memref<!tpu.dma_semaphore, #tpu.memory_space<semaphore_mem>>) src(%arg9 : memref<16x1024xf32, #tpu.memory_space<vmem>>) dst(%dma_wait3A_291 : memref<16x1024xf32, #tpu.memory_space<hbm>>)
      %mul3A_292 = arith.constant 16 : i32
      %mul3A_293 = arith.muli %add3A_281, %mul3A_292 : i32
      %add3A_294 = arith.addi %mul3A_2, %mul3A_293 : i32
      %dma_start3A_295 = arith.constant 2 : i32
      %dma_start3A_296 = arith.constant 0 : i32
      %dma_start3A_297 = tpu.memref_slice %arg2[%dma_start3A_295, %add3A_294, %dma_start3A_296] : memref<4x4096x1024xf32, #tpu.memory_space<hbm>> -> memref<1x16x1024xf32, #tpu.memory_space<hbm>>
      %dma_start3A_298 = tpu.memref_squeeze %dma_start3A_297 : memref<1x16x1024xf32, #tpu.memory_space<hbm>> -> memref<16x1024xf32, #tpu.memory_space<hbm>>
      %dma_start3A_299 = arith.constant 0 : i32
      %dma_start3A_300 = tpu.memref_slice %arg2[%dma_start3A_295, %add3A_294, %dma_start3A_299] : memref<4x4096x1024xf32, #tpu.memory_space<hbm>> -> memref<1x16x1024xf32, #tpu.memory_space<hbm>>
      %dma_start3A_301 = tpu.memref_squeeze %dma_start3A_300 : memref<1x16x1024xf32, #tpu.memory_space<hbm>> -> memref<16x1024xf32, #tpu.memory_space<hbm>>
      tpu.enqueue_dma source(%dma_start3A_301 : memref<16x1024xf32, #tpu.memory_space<hbm>>) target(%arg9 : memref<16x1024xf32, #tpu.memory_space<vmem>>) target_semaphore(%arg15 : memref<!tpu.dma_semaphore, #tpu.memory_space<semaphore_mem>>)
      %mul3A_302 = arith.constant 2 : i32
      %mul3A_303 = arith.muli %mul3A_302, %scan3A_75 : i32
      %add3A_304 = arith.constant 1 : i32
      %add3A_305 = arith.addi %mul3A_303, %add3A_304 : i32
      %mul3A_306 = arith.constant 16 : i32
      %mul3A_307 = arith.muli %add3A_305, %mul3A_306 : i32
      %add3A_308 = arith.addi %mul3A_2, %mul3A_307 : i32
      %dma_wait3A_309 = arith.constant 0 : i32
      %dma_wait3A_310 = tpu.memref_slice %arg3[%add3A_308, %dma_wait3A_309] : memref<4096x1024xf32, #tpu.memory_space<hbm>> -> memref<16x1024xf32, #tpu.memory_space<hbm>>
      %dma_wait3A_311 = arith.constant 0 : i32
      %dma_wait3A_312 = tpu.memref_slice %arg3[%add3A_308, %dma_wait3A_311] : memref<4096x1024xf32, #tpu.memory_space<hbm>> -> memref<16x1024xf32, #tpu.memory_space<hbm>>
      tpu.wait_dma2 semaphore(%arg12 : memref<!tpu.dma_semaphore, #tpu.memory_space<semaphore_mem>>) src(%dma_wait3A_312 : memref<16x1024xf32, #tpu.memory_space<hbm>>) dst(%arg6 : memref<16x1024xf32, #tpu.memory_space<vmem>>)
      %lt3A = arith.constant 3 : i32
      %lt3A_313 = arith.cmpi slt, %scan3A_75, %lt3A : i32
      %convert_element_type3A_314 = arith.extui %lt3A_313 : i1 to i32
      %cond3A_315 = arith.constant 0 : i32
      %cond3A_316 = arith.cmpi ne, %convert_element_type3A_314, %cond3A_315 : i32
      scf.if %cond3A_316 {
        %add3A_488 = arith.constant 1 : i32
        %add3A_489 = arith.addi %add3A_305, %add3A_488 : i32
        %mul3A_490 = arith.constant 16 : i32
        %mul3A_491 = arith.muli %add3A_489, %mul3A_490 : i32
        %add3A_492 = arith.addi %mul3A_2, %mul3A_491 : i32
        %dma_start3A_493 = arith.constant 0 : i32
        %dma_start3A_494 = tpu.memref_slice %arg3[%add3A_492, %dma_start3A_493] : memref<4096x1024xf32, #tpu.memory_space<hbm>> -> memref<16x1024xf32, #tpu.memory_space<hbm>>
        %dma_start3A_495 = arith.constant 0 : i32
        %dma_start3A_496 = tpu.memref_slice %arg3[%add3A_492, %dma_start3A_495] : memref<4096x1024xf32, #tpu.memory_space<hbm>> -> memref<16x1024xf32, #tpu.memory_space<hbm>>
        tpu.enqueue_dma source(%dma_start3A_496 : memref<16x1024xf32, #tpu.memory_space<hbm>>) target(%arg5 : memref<16x1024xf32, #tpu.memory_space<vmem>>) target_semaphore(%arg11 : memref<!tpu.dma_semaphore, #tpu.memory_space<semaphore_mem>>)
      } else {
      }
      %mul3A_317 = arith.constant 16 : i32
      %mul3A_318 = arith.muli %add3A_305, %mul3A_317 : i32
      %add3A_319 = arith.addi %mul3A_2, %mul3A_318 : i32
      %dma_wait3A_320 = arith.constant 0 : i32
      %dma_wait3A_321 = arith.constant 0 : i32
      %dma_wait3A_322 = tpu.memref_slice %arg2[%dma_wait3A_320, %add3A_319, %dma_wait3A_321] : memref<4x4096x1024xf32, #tpu.memory_space<hbm>> -> memref<1x16x1024xf32, #tpu.memory_space<hbm>>
      %dma_wait3A_323 = tpu.memref_squeeze %dma_wait3A_322 : memref<1x16x1024xf32, #tpu.memory_space<hbm>> -> memref<16x1024xf32, #tpu.memory_space<hbm>>
      %dma_wait3A_324 = arith.constant 0 : i32
      %dma_wait3A_325 = tpu.memref_slice %arg2[%dma_wait3A_320, %add3A_319, %dma_wait3A_324] : memref<4x4096x1024xf32, #tpu.memory_space<hbm>> -> memref<1x16x1024xf32, #tpu.memory_space<hbm>>
      %dma_wait3A_326 = tpu.memref_squeeze %dma_wait3A_325 : memref<1x16x1024xf32, #tpu.memory_space<hbm>> -> memref<16x1024xf32, #tpu.memory_space<hbm>>
      tpu.wait_dma2 semaphore(%arg13 : memref<!tpu.dma_semaphore, #tpu.memory_space<semaphore_mem>>) src(%dma_wait3A_326 : memref<16x1024xf32, #tpu.memory_space<hbm>>) dst(%arg7 : memref<16x1024xf32, #tpu.memory_space<vmem>>)
      %parallel_loop3A_327 = arith.constant 0 : i32
      %parallel_loop3A_328 = arith.constant 1024 : i32
      %parallel_loop3A_329 = arith.constant 1 : i32
      scf.for %parallel_loop3A_488 = %parallel_loop3A_327 to %parallel_loop3A_328 step %parallel_loop3A_329  : i32 {
        %parallel_loop3A_489 = arith.constant 64 : i32
        %parallel_loop3A_490 = arith.divsi %parallel_loop3A_488, %parallel_loop3A_489 : i32
        %parallel_loop3A_491 = arith.constant 0 : i32
        %parallel_loop3A_492 = arith.cmpi sgt, %parallel_loop3A_488, %parallel_loop3A_491 : i32
        %parallel_loop3A_493 = arith.extui %parallel_loop3A_492 : i1 to i32
        %parallel_loop3A_494 = arith.constant 0 : i32
        %parallel_loop3A_495 = arith.cmpi slt, %parallel_loop3A_488, %parallel_loop3A_494 : i32
        %parallel_loop3A_496 = arith.extui %parallel_loop3A_495 : i1 to i32
        %parallel_loop3A_497 = arith.subi %parallel_loop3A_493, %parallel_loop3A_496 : i32
        %parallel_loop3A_498 = arith.constant 0 : i32
        %parallel_loop3A_499 = arith.cmpi sgt, %parallel_loop3A_489, %parallel_loop3A_498 : i32
        %parallel_loop3A_500 = arith.extui %parallel_loop3A_499 : i1 to i32
        %parallel_loop3A_501 = arith.constant 0 : i32
        %parallel_loop3A_502 = arith.cmpi slt, %parallel_loop3A_489, %parallel_loop3A_501 : i32
        %parallel_loop3A_503 = arith.extui %parallel_loop3A_502 : i1 to i32
        %parallel_loop3A_504 = arith.subi %parallel_loop3A_500, %parallel_loop3A_503 : i32
        %parallel_loop3A_505 = arith.cmpi ne, %parallel_loop3A_497, %parallel_loop3A_504 : i32
        %parallel_loop3A_506 = arith.remsi %parallel_loop3A_488, %parallel_loop3A_489 : i32
        %parallel_loop3A_507 = arith.constant 0 : i32
        %parallel_loop3A_508 = arith.cmpi ne, %parallel_loop3A_506, %parallel_loop3A_507 : i32
        %parallel_loop3A_509 = arith.andi %parallel_loop3A_505, %parallel_loop3A_508 : i1
        %parallel_loop3A_510 = arith.constant 1 : i32
        %parallel_loop3A_511 = arith.subi %parallel_loop3A_490, %parallel_loop3A_510 : i32
        %parallel_loop3A_512 = arith.select %parallel_loop3A_509, %parallel_loop3A_511, %parallel_loop3A_490 : i32
        %parallel_loop3A_513 = arith.constant 64 : i32
        %parallel_loop3A_514 = arith.constant 0 : i32
        %parallel_loop3A_515 = arith.cmpi eq, %parallel_loop3A_513, %parallel_loop3A_514 : i32
        %parallel_loop3A_516 = arith.constant 1 : i32
        %parallel_loop3A_517 = arith.select %parallel_loop3A_515, %parallel_loop3A_516, %parallel_loop3A_513 : i32
        %parallel_loop3A_518 = arith.remsi %parallel_loop3A_488, %parallel_loop3A_517 : i32
        %parallel_loop3A_519 = arith.constant 0 : i32
        %parallel_loop3A_520 = arith.cmpi ne, %parallel_loop3A_518, %parallel_loop3A_519 : i32
        %parallel_loop3A_521 = arith.constant 0 : i32
        %parallel_loop3A_522 = arith.cmpi slt, %parallel_loop3A_518, %parallel_loop3A_521 : i32
        %parallel_loop3A_523 = arith.constant 0 : i32
        %parallel_loop3A_524 = arith.cmpi slt, %parallel_loop3A_517, %parallel_loop3A_523 : i32
        %parallel_loop3A_525 = arith.xori %parallel_loop3A_522, %parallel_loop3A_524 : i1
        %parallel_loop3A_526 = arith.andi %parallel_loop3A_525, %parallel_loop3A_520 : i1
        %parallel_loop3A_527 = arith.addi %parallel_loop3A_518, %parallel_loop3A_517 : i32
        %parallel_loop3A_528 = arith.select %parallel_loop3A_526, %parallel_loop3A_527, %parallel_loop3A_518 : i32
        %parallel_loop3A_529 = arith.constant 16 : i32
        %parallel_loop3A_530 = arith.muli %parallel_loop3A_528, %parallel_loop3A_529 : i32
        %parallel_loop3A_531 = arith.index_cast %parallel_loop3A_512 : i32 to index
        %parallel_loop3A_532 = arith.index_cast %parallel_loop3A_530 : i32 to index
        %parallel_loop3A_533 = tpu.vector_load %arg6[%parallel_loop3A_531, %parallel_loop3A_532] {strides = array<i32>} : memref<16x1024xf32, #tpu.memory_space<vmem>>, vector<1x16xf32>,
        %parallel_loop3A_534 = vector.shape_cast %parallel_loop3A_533 : vector<1x16xf32> to vector<16xf32>
        %parallel_loop3A_535 = arith.index_cast %parallel_loop3A_512 : i32 to index
        %parallel_loop3A_536 = arith.index_cast %parallel_loop3A_530 : i32 to index
        %parallel_loop3A_537 = tpu.vector_load %arg7[%parallel_loop3A_535, %parallel_loop3A_536] {strides = array<i32>} : memref<16x1024xf32, #tpu.memory_space<vmem>>, vector<1x16xf32>,
        %parallel_loop3A_538 = vector.shape_cast %parallel_loop3A_537 : vector<1x16xf32> to vector<16xf32>
        %parallel_loop3A_539 = vector.shape_cast %parallel_loop3A_534 : vector<16xf32> to vector<1x16xf32>
        tpu.vector_store %arg7[%parallel_loop3A_535, %parallel_loop3A_536], %parallel_loop3A_539 {add = true, strides = array<i32>} : memref<16x1024xf32, #tpu.memory_space<vmem>>, vector<1x16xf32>,
      } {sc.loop_unroll_factor = 4 : i64, sc.parallel_access}
      %mul3A_330 = arith.constant 16 : i32
      %mul3A_331 = arith.muli %add3A_305, %mul3A_330 : i32
      %add3A_332 = arith.addi %mul3A_2, %mul3A_331 : i32
      %dma_start3A_333 = arith.constant 0 : i32
      %dma_start3A_334 = arith.constant 0 : i32
      %dma_start3A_335 = tpu.memref_slice %arg4[%dma_start3A_333, %add3A_332, %dma_start3A_334] : memref<4x4096x1024xf32, #tpu.memory_space<hbm>> -> memref<1x16x1024xf32, #tpu.memory_space<hbm>>
      %dma_start3A_336 = tpu.memref_squeeze %dma_start3A_335 : memref<1x16x1024xf32, #tpu.memory_space<hbm>> -> memref<16x1024xf32, #tpu.memory_space<hbm>>
      %dma_start3A_337 = arith.constant 0 : i32
      %dma_start3A_338 = tpu.memref_slice %arg4[%dma_start3A_333, %add3A_332, %dma_start3A_337] : memref<4x4096x1024xf32, #tpu.memory_space<hbm>> -> memref<1x16x1024xf32, #tpu.memory_space<hbm>>
      %dma_start3A_339 = tpu.memref_squeeze %dma_start3A_338 : memref<1x16x1024xf32, #tpu.memory_space<hbm>> -> memref<16x1024xf32, #tpu.memory_space<hbm>>
      tpu.enqueue_dma source(%arg7 : memref<16x1024xf32, #tpu.memory_space<vmem>>) target(%dma_start3A_339 : memref<16x1024xf32, #tpu.memory_space<hbm>>) target_semaphore(%arg17 : memref<!tpu.dma_semaphore, #tpu.memory_space<semaphore_mem>>)
      %mul3A_340 = arith.constant 2 : i32
      %mul3A_341 = arith.muli %mul3A_340, %scan3A_75 : i32
      %add3A_342 = arith.constant 0 : i32
      %add3A_343 = arith.addi %mul3A_341, %add3A_342 : i32
      %mul3A_344 = arith.constant 2 : i32
      %mul3A_345 = arith.muli %mul3A_344, %scan3A_75 : i32
      %add3A_346 = arith.constant 1 : i32
      %add3A_347 = arith.addi %mul3A_345, %add3A_346 : i32
      %mul3A_348 = arith.constant 16 : i32
      %mul3A_349 = arith.muli %add3A_343, %mul3A_348 : i32
      %add3A_350 = arith.addi %mul3A_2, %mul3A_349 : i32
      %dma_wait3A_351 = arith.constant 3 : i32
      %dma_wait3A_352 = arith.constant 0 : i32
      %dma_wait3A_353 = tpu.memref_slice %arg4[%dma_wait3A_351, %add3A_350, %dma_wait3A_352] : memref<4x4096x1024xf32, #tpu.memory_space<hbm>> -> memref<1x16x1024xf32, #tpu.memory_space<hbm>>
      %dma_wait3A_354 = tpu.memref_squeeze %dma_wait3A_353 : memref<1x16x1024xf32, #tpu.memory_space<hbm>> -> memref<16x1024xf32, #tpu.memory_space<hbm>>
      %dma_wait3A_355 = arith.constant 0 : i32
      %dma_wait3A_356 = tpu.memref_slice %arg4[%dma_wait3A_351, %add3A_350, %dma_wait3A_355] : memref<4x4096x1024xf32, #tpu.memory_space<hbm>> -> memref<1x16x1024xf32, #tpu.memory_space<hbm>>
      %dma_wait3A_357 = tpu.memref_squeeze %dma_wait3A_356 : memref<1x16x1024xf32, #tpu.memory_space<hbm>> -> memref<16x1024xf32, #tpu.memory_space<hbm>>
      tpu.wait_dma2 semaphore(%arg20 : memref<!tpu.dma_semaphore, #tpu.memory_space<semaphore_mem>>) src(%arg10 : memref<16x1024xf32, #tpu.memory_space<vmem>>) dst(%dma_wait3A_357 : memref<16x1024xf32, #tpu.memory_space<hbm>>)
      %mul3A_358 = arith.constant 16 : i32
      %mul3A_359 = arith.muli %add3A_347, %mul3A_358 : i32
      %add3A_360 = arith.addi %mul3A_2, %mul3A_359 : i32
      %dma_start3A_361 = arith.constant 3 : i32
      %dma_start3A_362 = arith.constant 0 : i32
      %dma_start3A_363 = tpu.memref_slice %arg2[%dma_start3A_361, %add3A_360, %dma_start3A_362] : memref<4x4096x1024xf32, #tpu.memory_space<hbm>> -> memref<1x16x1024xf32, #tpu.memory_space<hbm>>
      %dma_start3A_364 = tpu.memref_squeeze %dma_start3A_363 : memref<1x16x1024xf32, #tpu.memory_space<hbm>> -> memref<16x1024xf32, #tpu.memory_space<hbm>>
      %dma_start3A_365 = arith.constant 0 : i32
      %dma_start3A_366 = tpu.memref_slice %arg2[%dma_start3A_361, %add3A_360, %dma_start3A_365] : memref<4x4096x1024xf32, #tpu.memory_space<hbm>> -> memref<1x16x1024xf32, #tpu.memory_space<hbm>>
      %dma_start3A_367 = tpu.memref_squeeze %dma_start3A_366 : memref<1x16x1024xf32, #tpu.memory_space<hbm>> -> memref<16x1024xf32, #tpu.memory_space<hbm>>
      tpu.enqueue_dma source(%dma_start3A_367 : memref<16x1024xf32, #tpu.memory_space<hbm>>) target(%arg10 : memref<16x1024xf32, #tpu.memory_space<vmem>>) target_semaphore(%arg16 : memref<!tpu.dma_semaphore, #tpu.memory_space<semaphore_mem>>)
      %mul3A_368 = arith.constant 2 : i32
      %mul3A_369 = arith.muli %mul3A_368, %scan3A_75 : i32
      %add3A_370 = arith.constant 1 : i32
      %add3A_371 = arith.addi %mul3A_369, %add3A_370 : i32
      %mul3A_372 = arith.constant 16 : i32
      %mul3A_373 = arith.muli %add3A_371, %mul3A_372 : i32
      %add3A_374 = arith.addi %mul3A_2, %mul3A_373 : i32
      %dma_wait3A_375 = arith.constant 1 : i32
      %dma_wait3A_376 = arith.constant 0 : i32
      %dma_wait3A_377 = tpu.memref_slice %arg2[%dma_wait3A_375, %add3A_374, %dma_wait3A_376] : memref<4x4096x1024xf32, #tpu.memory_space<hbm>> -> memref<1x16x1024xf32, #tpu.memory_space<hbm>>
      %dma_wait3A_378 = tpu.memref_squeeze %dma_wait3A_377 : memref<1x16x1024xf32, #tpu.memory_space<hbm>> -> memref<16x1024xf32, #tpu.memory_space<hbm>>
      %dma_wait3A_379 = arith.constant 0 : i32
      %dma_wait3A_380 = tpu.memref_slice %arg2[%dma_wait3A_375, %add3A_374, %dma_wait3A_379] : memref<4x4096x1024xf32, #tpu.memory_space<hbm>> -> memref<1x16x1024xf32, #tpu.memory_space<hbm>>
      %dma_wait3A_381 = tpu.memref_squeeze %dma_wait3A_380 : memref<1x16x1024xf32, #tpu.memory_space<hbm>> -> memref<16x1024xf32, #tpu.memory_space<hbm>>
      tpu.wait_dma2 semaphore(%arg14 : memref<!tpu.dma_semaphore, #tpu.memory_space<semaphore_mem>>) src(%dma_wait3A_381 : memref<16x1024xf32, #tpu.memory_space<hbm>>) dst(%arg8 : memref<16x1024xf32, #tpu.memory_space<vmem>>)
      %parallel_loop3A_382 = arith.constant 0 : i32
      %parallel_loop3A_383 = arith.constant 1024 : i32
      %parallel_loop3A_384 = arith.constant 1 : i32
      scf.for %parallel_loop3A_488 = %parallel_loop3A_382 to %parallel_loop3A_383 step %parallel_loop3A_384  : i32 {
        %parallel_loop3A_489 = arith.constant 64 : i32
        %parallel_loop3A_490 = arith.divsi %parallel_loop3A_488, %parallel_loop3A_489 : i32
        %parallel_loop3A_491 = arith.constant 0 : i32
        %parallel_loop3A_492 = arith.cmpi sgt, %parallel_loop3A_488, %parallel_loop3A_491 : i32
        %parallel_loop3A_493 = arith.extui %parallel_loop3A_492 : i1 to i32
        %parallel_loop3A_494 = arith.constant 0 : i32
        %parallel_loop3A_495 = arith.cmpi slt, %parallel_loop3A_488, %parallel_loop3A_494 : i32
        %parallel_loop3A_496 = arith.extui %parallel_loop3A_495 : i1 to i32
        %parallel_loop3A_497 = arith.subi %parallel_loop3A_493, %parallel_loop3A_496 : i32
        %parallel_loop3A_498 = arith.constant 0 : i32
        %parallel_loop3A_499 = arith.cmpi sgt, %parallel_loop3A_489, %parallel_loop3A_498 : i32
        %parallel_loop3A_500 = arith.extui %parallel_loop3A_499 : i1 to i32
        %parallel_loop3A_501 = arith.constant 0 : i32
        %parallel_loop3A_502 = arith.cmpi slt, %parallel_loop3A_489, %parallel_loop3A_501 : i32
        %parallel_loop3A_503 = arith.extui %parallel_loop3A_502 : i1 to i32
        %parallel_loop3A_504 = arith.subi %parallel_loop3A_500, %parallel_loop3A_503 : i32
        %parallel_loop3A_505 = arith.cmpi ne, %parallel_loop3A_497, %parallel_loop3A_504 : i32
        %parallel_loop3A_506 = arith.remsi %parallel_loop3A_488, %parallel_loop3A_489 : i32
        %parallel_loop3A_507 = arith.constant 0 : i32
        %parallel_loop3A_508 = arith.cmpi ne, %parallel_loop3A_506, %parallel_loop3A_507 : i32
        %parallel_loop3A_509 = arith.andi %parallel_loop3A_505, %parallel_loop3A_508 : i1
        %parallel_loop3A_510 = arith.constant 1 : i32
        %parallel_loop3A_511 = arith.subi %parallel_loop3A_490, %parallel_loop3A_510 : i32
        %parallel_loop3A_512 = arith.select %parallel_loop3A_509, %parallel_loop3A_511, %parallel_loop3A_490 : i32
        %parallel_loop3A_513 = arith.constant 64 : i32
        %parallel_loop3A_514 = arith.constant 0 : i32
        %parallel_loop3A_515 = arith.cmpi eq, %parallel_loop3A_513, %parallel_loop3A_514 : i32
        %parallel_loop3A_516 = arith.constant 1 : i32
        %parallel_loop3A_517 = arith.select %parallel_loop3A_515, %parallel_loop3A_516, %parallel_loop3A_513 : i32
        %parallel_loop3A_518 = arith.remsi %parallel_loop3A_488, %parallel_loop3A_517 : i32
        %parallel_loop3A_519 = arith.constant 0 : i32
        %parallel_loop3A_520 = arith.cmpi ne, %parallel_loop3A_518, %parallel_loop3A_519 : i32
        %parallel_loop3A_521 = arith.constant 0 : i32
        %parallel_loop3A_522 = arith.cmpi slt, %parallel_loop3A_518, %parallel_loop3A_521 : i32
        %parallel_loop3A_523 = arith.constant 0 : i32
        %parallel_loop3A_524 = arith.cmpi slt, %parallel_loop3A_517, %parallel_loop3A_523 : i32
        %parallel_loop3A_525 = arith.xori %parallel_loop3A_522, %parallel_loop3A_524 : i1
        %parallel_loop3A_526 = arith.andi %parallel_loop3A_525, %parallel_loop3A_520 : i1
        %parallel_loop3A_527 = arith.addi %parallel_loop3A_518, %parallel_loop3A_517 : i32
        %parallel_loop3A_528 = arith.select %parallel_loop3A_526, %parallel_loop3A_527, %parallel_loop3A_518 : i32
        %parallel_loop3A_529 = arith.constant 16 : i32
        %parallel_loop3A_530 = arith.muli %parallel_loop3A_528, %parallel_loop3A_529 : i32
        %parallel_loop3A_531 = arith.index_cast %parallel_loop3A_512 : i32 to index
        %parallel_loop3A_532 = arith.index_cast %parallel_loop3A_530 : i32 to index
        %parallel_loop3A_533 = tpu.vector_load %arg6[%parallel_loop3A_531, %parallel_loop3A_532] {strides = array<i32>} : memref<16x1024xf32, #tpu.memory_space<vmem>>, vector<1x16xf32>,
        %parallel_loop3A_534 = vector.shape_cast %parallel_loop3A_533 : vector<1x16xf32> to vector<16xf32>
        %parallel_loop3A_535 = arith.index_cast %parallel_loop3A_512 : i32 to index
        %parallel_loop3A_536 = arith.index_cast %parallel_loop3A_530 : i32 to index
        %parallel_loop3A_537 = tpu.vector_load %arg8[%parallel_loop3A_535, %parallel_loop3A_536] {strides = array<i32>} : memref<16x1024xf32, #tpu.memory_space<vmem>>, vector<1x16xf32>,
        %parallel_loop3A_538 = vector.shape_cast %parallel_loop3A_537 : vector<1x16xf32> to vector<16xf32>
        %parallel_loop3A_539 = vector.shape_cast %parallel_loop3A_534 : vector<16xf32> to vector<1x16xf32>
        tpu.vector_store %arg8[%parallel_loop3A_535, %parallel_loop3A_536], %parallel_loop3A_539 {add = true, strides = array<i32>} : memref<16x1024xf32, #tpu.memory_space<vmem>>, vector<1x16xf32>,
      } {sc.loop_unroll_factor = 4 : i64, sc.parallel_access}
      %mul3A_385 = arith.constant 16 : i32
      %mul3A_386 = arith.muli %add3A_371, %mul3A_385 : i32
      %add3A_387 = arith.addi %mul3A_2, %mul3A_386 : i32
      %dma_start3A_388 = arith.constant 1 : i32
      %dma_start3A_389 = arith.constant 0 : i32
      %dma_start3A_390 = tpu.memref_slice %arg4[%dma_start3A_388, %add3A_387, %dma_start3A_389] : memref<4x4096x1024xf32, #tpu.memory_space<hbm>> -> memref<1x16x1024xf32, #tpu.memory_space<hbm>>
      %dma_start3A_391 = tpu.memref_squeeze %dma_start3A_390 : memref<1x16x1024xf32, #tpu.memory_space<hbm>> -> memref<16x1024xf32, #tpu.memory_space<hbm>>
      %dma_start3A_392 = arith.constant 0 : i32
      %dma_start3A_393 = tpu.memref_slice %arg4[%dma_start3A_388, %add3A_387, %dma_start3A_392] : memref<4x4096x1024xf32, #tpu.memory_space<hbm>> -> memref<1x16x1024xf32, #tpu.memory_space<hbm>>
      %dma_start3A_394 = tpu.memref_squeeze %dma_start3A_393 : memref<1x16x1024xf32, #tpu.memory_space<hbm>> -> memref<16x1024xf32, #tpu.memory_space<hbm>>
      tpu.enqueue_dma source(%arg8 : memref<16x1024xf32, #tpu.memory_space<vmem>>) target(%dma_start3A_394 : memref<16x1024xf32, #tpu.memory_space<hbm>>) target_semaphore(%arg18 : memref<!tpu.dma_semaphore, #tpu.memory_space<semaphore_mem>>)
      %mul3A_395 = arith.constant 2 : i32
      %mul3A_396 = arith.muli %mul3A_395, %scan3A_75 : i32
      %add3A_397 = arith.constant 1 : i32
      %add3A_398 = arith.addi %mul3A_396, %add3A_397 : i32
      %mul3A_399 = arith.constant 2 : i32
      %mul3A_400 = arith.muli %mul3A_399, %scan3A_75 : i32
      %add3A_401 = arith.constant 2 : i32
      %add3A_402 = arith.addi %mul3A_400, %add3A_401 : i32
      %lt3A_403 = arith.constant 3 : i32
      %lt3A_404 = arith.cmpi slt, %scan3A_75, %lt3A_403 : i32
      %convert_element_type3A_405 = arith.extui %lt3A_404 : i1 to i32
      %cond3A_406 = arith.constant 0 : i32
      %cond3A_407 = arith.cmpi ne, %convert_element_type3A_405, %cond3A_406 : i32
      scf.if %cond3A_407 {
        %mul3A_488 = arith.constant 16 : i32
        %mul3A_489 = arith.muli %add3A_398, %mul3A_488 : i32
        %add3A_490 = arith.addi %mul3A_2, %mul3A_489 : i32
        %dma_wait3A_491 = arith.constant 0 : i32
        %dma_wait3A_492 = arith.constant 0 : i32
        %dma_wait3A_493 = tpu.memref_slice %arg4[%dma_wait3A_491, %add3A_490, %dma_wait3A_492] : memref<4x4096x1024xf32, #tpu.memory_space<hbm>> -> memref<1x16x1024xf32, #tpu.memory_space<hbm>>
        %dma_wait3A_494 = tpu.memref_squeeze %dma_wait3A_493 : memref<1x16x1024xf32, #tpu.memory_space<hbm>> -> memref<16x1024xf32, #tpu.memory_space<hbm>>
        %dma_wait3A_495 = arith.constant 0 : i32
        %dma_wait3A_496 = tpu.memref_slice %arg4[%dma_wait3A_491, %add3A_490, %dma_wait3A_495] : memref<4x4096x1024xf32, #tpu.memory_space<hbm>> -> memref<1x16x1024xf32, #tpu.memory_space<hbm>>
        %dma_wait3A_497 = tpu.memref_squeeze %dma_wait3A_496 : memref<1x16x1024xf32, #tpu.memory_space<hbm>> -> memref<16x1024xf32, #tpu.memory_space<hbm>>
        tpu.wait_dma2 semaphore(%arg17 : memref<!tpu.dma_semaphore, #tpu.memory_space<semaphore_mem>>) src(%arg7 : memref<16x1024xf32, #tpu.memory_space<vmem>>) dst(%dma_wait3A_497 : memref<16x1024xf32, #tpu.memory_space<hbm>>)
        %mul3A_498 = arith.constant 16 : i32
        %mul3A_499 = arith.muli %add3A_402, %mul3A_498 : i32
        %add3A_500 = arith.addi %mul3A_2, %mul3A_499 : i32
        %dma_start3A_501 = arith.constant 0 : i32
        %dma_start3A_502 = arith.constant 0 : i32
        %dma_start3A_503 = tpu.memref_slice %arg2[%dma_start3A_501, %add3A_500, %dma_start3A_502] : memref<4x4096x1024xf32, #tpu.memory_space<hbm>> -> memref<1x16x1024xf32, #tpu.memory_space<hbm>>
        %dma_start3A_504 = tpu.memref_squeeze %dma_start3A_503 : memref<1x16x1024xf32, #tpu.memory_space<hbm>> -> memref<16x1024xf32, #tpu.memory_space<hbm>>
        %dma_start3A_505 = arith.constant 0 : i32
        %dma_start3A_506 = tpu.memref_slice %arg2[%dma_start3A_501, %add3A_500, %dma_start3A_505] : memref<4x4096x1024xf32, #tpu.memory_space<hbm>> -> memref<1x16x1024xf32, #tpu.memory_space<hbm>>
        %dma_start3A_507 = tpu.memref_squeeze %dma_start3A_506 : memref<1x16x1024xf32, #tpu.memory_space<hbm>> -> memref<16x1024xf32, #tpu.memory_space<hbm>>
        tpu.enqueue_dma source(%dma_start3A_507 : memref<16x1024xf32, #tpu.memory_space<hbm>>) target(%arg7 : memref<16x1024xf32, #tpu.memory_space<vmem>>) target_semaphore(%arg13 : memref<!tpu.dma_semaphore, #tpu.memory_space<semaphore_mem>>)
      } else {
      }
      %mul3A_408 = arith.constant 2 : i32
      %mul3A_409 = arith.muli %mul3A_408, %scan3A_75 : i32
      %add3A_410 = arith.constant 1 : i32
      %add3A_411 = arith.addi %mul3A_409, %add3A_410 : i32
      %mul3A_412 = arith.constant 16 : i32
      %mul3A_413 = arith.muli %add3A_411, %mul3A_412 : i32
      %add3A_414 = arith.addi %mul3A_2, %mul3A_413 : i32
      %dma_wait3A_415 = arith.constant 2 : i32
      %dma_wait3A_416 = arith.constant 0 : i32
      %dma_wait3A_417 = tpu.memref_slice %arg2[%dma_wait3A_415, %add3A_414, %dma_wait3A_416] : memref<4x4096x1024xf32, #tpu.memory_space<hbm>> -> memref<1x16x1024xf32, #tpu.memory_space<hbm>>
      %dma_wait3A_418 = tpu.memref_squeeze %dma_wait3A_417 : memref<1x16x1024xf32, #tpu.memory_space<hbm>> -> memref<16x1024xf32, #tpu.memory_space<hbm>>
      %dma_wait3A_419 = arith.constant 0 : i32
      %dma_wait3A_420 = tpu.memref_slice %arg2[%dma_wait3A_415, %add3A_414, %dma_wait3A_419] : memref<4x4096x1024xf32, #tpu.memory_space<hbm>> -> memref<1x16x1024xf32, #tpu.memory_space<hbm>>
      %dma_wait3A_421 = tpu.memref_squeeze %dma_wait3A_420 : memref<1x16x1024xf32, #tpu.memory_space<hbm>> -> memref<16x1024xf32, #tpu.memory_space<hbm>>
      tpu.wait_dma2 semaphore(%arg15 : memref<!tpu.dma_semaphore, #tpu.memory_space<semaphore_mem>>) src(%dma_wait3A_421 : memref<16x1024xf32, #tpu.memory_space<hbm>>) dst(%arg9 : memref<16x1024xf32, #tpu.memory_space<vmem>>)
      %parallel_loop3A_422 = arith.constant 0 : i32
      %parallel_loop3A_423 = arith.constant 1024 : i32
      %parallel_loop3A_424 = arith.constant 1 : i32
      scf.for %parallel_loop3A_488 = %parallel_loop3A_422 to %parallel_loop3A_423 step %parallel_loop3A_424  : i32 {
        %parallel_loop3A_489 = arith.constant 64 : i32
        %parallel_loop3A_490 = arith.divsi %parallel_loop3A_488, %parallel_loop3A_489 : i32
        %parallel_loop3A_491 = arith.constant 0 : i32
        %parallel_loop3A_492 = arith.cmpi sgt, %parallel_loop3A_488, %parallel_loop3A_491 : i32
        %parallel_loop3A_493 = arith.extui %parallel_loop3A_492 : i1 to i32
        %parallel_loop3A_494 = arith.constant 0 : i32
        %parallel_loop3A_495 = arith.cmpi slt, %parallel_loop3A_488, %parallel_loop3A_494 : i32
        %parallel_loop3A_496 = arith.extui %parallel_loop3A_495 : i1 to i32
        %parallel_loop3A_497 = arith.subi %parallel_loop3A_493, %parallel_loop3A_496 : i32
        %parallel_loop3A_498 = arith.constant 0 : i32
        %parallel_loop3A_499 = arith.cmpi sgt, %parallel_loop3A_489, %parallel_loop3A_498 : i32
        %parallel_loop3A_500 = arith.extui %parallel_loop3A_499 : i1 to i32
        %parallel_loop3A_501 = arith.constant 0 : i32
        %parallel_loop3A_502 = arith.cmpi slt, %parallel_loop3A_489, %parallel_loop3A_501 : i32
        %parallel_loop3A_503 = arith.extui %parallel_loop3A_502 : i1 to i32
        %parallel_loop3A_504 = arith.subi %parallel_loop3A_500, %parallel_loop3A_503 : i32
        %parallel_loop3A_505 = arith.cmpi ne, %parallel_loop3A_497, %parallel_loop3A_504 : i32
        %parallel_loop3A_506 = arith.remsi %parallel_loop3A_488, %parallel_loop3A_489 : i32
        %parallel_loop3A_507 = arith.constant 0 : i32
        %parallel_loop3A_508 = arith.cmpi ne, %parallel_loop3A_506, %parallel_loop3A_507 : i32
        %parallel_loop3A_509 = arith.andi %parallel_loop3A_505, %parallel_loop3A_508 : i1
        %parallel_loop3A_510 = arith.constant 1 : i32
        %parallel_loop3A_511 = arith.subi %parallel_loop3A_490, %parallel_loop3A_510 : i32
        %parallel_loop3A_512 = arith.select %parallel_loop3A_509, %parallel_loop3A_511, %parallel_loop3A_490 : i32
        %parallel_loop3A_513 = arith.constant 64 : i32
        %parallel_loop3A_514 = arith.constant 0 : i32
        %parallel_loop3A_515 = arith.cmpi eq, %parallel_loop3A_513, %parallel_loop3A_514 : i32
        %parallel_loop3A_516 = arith.constant 1 : i32
        %parallel_loop3A_517 = arith.select %parallel_loop3A_515, %parallel_loop3A_516, %parallel_loop3A_513 : i32
        %parallel_loop3A_518 = arith.remsi %parallel_loop3A_488, %parallel_loop3A_517 : i32
        %parallel_loop3A_519 = arith.constant 0 : i32
        %parallel_loop3A_520 = arith.cmpi ne, %parallel_loop3A_518, %parallel_loop3A_519 : i32
        %parallel_loop3A_521 = arith.constant 0 : i32
        %parallel_loop3A_522 = arith.cmpi slt, %parallel_loop3A_518, %parallel_loop3A_521 : i32
        %parallel_loop3A_523 = arith.constant 0 : i32
        %parallel_loop3A_524 = arith.cmpi slt, %parallel_loop3A_517, %parallel_loop3A_523 : i32
        %parallel_loop3A_525 = arith.xori %parallel_loop3A_522, %parallel_loop3A_524 : i1
        %parallel_loop3A_526 = arith.andi %parallel_loop3A_525, %parallel_loop3A_520 : i1
        %parallel_loop3A_527 = arith.addi %parallel_loop3A_518, %parallel_loop3A_517 : i32
        %parallel_loop3A_528 = arith.select %parallel_loop3A_526, %parallel_loop3A_527, %parallel_loop3A_518 : i32
        %parallel_loop3A_529 = arith.constant 16 : i32
        %parallel_loop3A_530 = arith.muli %parallel_loop3A_528, %parallel_loop3A_529 : i32
        %parallel_loop3A_531 = arith.index_cast %parallel_loop3A_512 : i32 to index
        %parallel_loop3A_532 = arith.index_cast %parallel_loop3A_530 : i32 to index
        %parallel_loop3A_533 = tpu.vector_load %arg6[%parallel_loop3A_531, %parallel_loop3A_532] {strides = array<i32>} : memref<16x1024xf32, #tpu.memory_space<vmem>>, vector<1x16xf32>,
        %parallel_loop3A_534 = vector.shape_cast %parallel_loop3A_533 : vector<1x16xf32> to vector<16xf32>
        %parallel_loop3A_535 = arith.index_cast %parallel_loop3A_512 : i32 to index
        %parallel_loop3A_536 = arith.index_cast %parallel_loop3A_530 : i32 to index
        %parallel_loop3A_537 = tpu.vector_load %arg9[%parallel_loop3A_535, %parallel_loop3A_536] {strides = array<i32>} : memref<16x1024xf32, #tpu.memory_space<vmem>>, vector<1x16xf32>,
        %parallel_loop3A_538 = vector.shape_cast %parallel_loop3A_537 : vector<1x16xf32> to vector<16xf32>
        %parallel_loop3A_539 = vector.shape_cast %parallel_loop3A_534 : vector<16xf32> to vector<1x16xf32>
        tpu.vector_store %arg9[%parallel_loop3A_535, %parallel_loop3A_536], %parallel_loop3A_539 {add = true, strides = array<i32>} : memref<16x1024xf32, #tpu.memory_space<vmem>>, vector<1x16xf32>,
      } {sc.loop_unroll_factor = 4 : i64, sc.parallel_access}
      %mul3A_425 = arith.constant 16 : i32
      %mul3A_426 = arith.muli %add3A_411, %mul3A_425 : i32
      %add3A_427 = arith.addi %mul3A_2, %mul3A_426 : i32
      %dma_start3A_428 = arith.constant 2 : i32
      %dma_start3A_429 = arith.constant 0 : i32
      %dma_start3A_430 = tpu.memref_slice %arg4[%dma_start3A_428, %add3A_427, %dma_start3A_429] : memref<4x4096x1024xf32, #tpu.memory_space<hbm>> -> memref<1x16x1024xf32, #tpu.memory_space<hbm>>
      %dma_start3A_431 = tpu.memref_squeeze %dma_start3A_430 : memref<1x16x1024xf32, #tpu.memory_space<hbm>> -> memref<16x1024xf32, #tpu.memory_space<hbm>>
      %dma_start3A_432 = arith.constant 0 : i32
      %dma_start3A_433 = tpu.memref_slice %arg4[%dma_start3A_428, %add3A_427, %dma_start3A_432] : memref<4x4096x1024xf32, #tpu.memory_space<hbm>> -> memref<1x16x1024xf32, #tpu.memory_space<hbm>>
      %dma_start3A_434 = tpu.memref_squeeze %dma_start3A_433 : memref<1x16x1024xf32, #tpu.memory_space<hbm>> -> memref<16x1024xf32, #tpu.memory_space<hbm>>
      tpu.enqueue_dma source(%arg9 : memref<16x1024xf32, #tpu.memory_space<vmem>>) target(%dma_start3A_434 : memref<16x1024xf32, #tpu.memory_space<hbm>>) target_semaphore(%arg19 : memref<!tpu.dma_semaphore, #tpu.memory_space<semaphore_mem>>)
      %mul3A_435 = arith.constant 2 : i32
      %mul3A_436 = arith.muli %mul3A_435, %scan3A_75 : i32
      %add3A_437 = arith.constant 1 : i32
      %add3A_438 = arith.addi %mul3A_436, %add3A_437 : i32
      %mul3A_439 = arith.constant 2 : i32
      %mul3A_440 = arith.muli %mul3A_439, %scan3A_75 : i32
      %add3A_441 = arith.constant 2 : i32
      %add3A_442 = arith.addi %mul3A_440, %add3A_441 : i32
      %lt3A_443 = arith.constant 3 : i32
      %lt3A_444 = arith.cmpi slt, %scan3A_75, %lt3A_443 : i32
      %convert_element_type3A_445 = arith.extui %lt3A_444 : i1 to i32
      %cond3A_446 = arith.constant 0 : i32
      %cond3A_447 = arith.cmpi ne, %convert_element_type3A_445, %cond3A_446 : i32
      scf.if %cond3A_447 {
        %mul3A_488 = arith.constant 16 : i32
        %mul3A_489 = arith.muli %add3A_438, %mul3A_488 : i32
        %add3A_490 = arith.addi %mul3A_2, %mul3A_489 : i32
        %dma_wait3A_491 = arith.constant 1 : i32
        %dma_wait3A_492 = arith.constant 0 : i32
        %dma_wait3A_493 = tpu.memref_slice %arg4[%dma_wait3A_491, %add3A_490, %dma_wait3A_492] : memref<4x4096x1024xf32, #tpu.memory_space<hbm>> -> memref<1x16x1024xf32, #tpu.memory_space<hbm>>
        %dma_wait3A_494 = tpu.memref_squeeze %dma_wait3A_493 : memref<1x16x1024xf32, #tpu.memory_space<hbm>> -> memref<16x1024xf32, #tpu.memory_space<hbm>>
        %dma_wait3A_495 = arith.constant 0 : i32
        %dma_wait3A_496 = tpu.memref_slice %arg4[%dma_wait3A_491, %add3A_490, %dma_wait3A_495] : memref<4x4096x1024xf32, #tpu.memory_space<hbm>> -> memref<1x16x1024xf32, #tpu.memory_space<hbm>>
        %dma_wait3A_497 = tpu.memref_squeeze %dma_wait3A_496 : memref<1x16x1024xf32, #tpu.memory_space<hbm>> -> memref<16x1024xf32, #tpu.memory_space<hbm>>
        tpu.wait_dma2 semaphore(%arg18 : memref<!tpu.dma_semaphore, #tpu.memory_space<semaphore_mem>>) src(%arg8 : memref<16x1024xf32, #tpu.memory_space<vmem>>) dst(%dma_wait3A_497 : memref<16x1024xf32, #tpu.memory_space<hbm>>)
        %mul3A_498 = arith.constant 16 : i32
        %mul3A_499 = arith.muli %add3A_442, %mul3A_498 : i32
        %add3A_500 = arith.addi %mul3A_2, %mul3A_499 : i32
        %dma_start3A_501 = arith.constant 1 : i32
        %dma_start3A_502 = arith.constant 0 : i32
        %dma_start3A_503 = tpu.memref_slice %arg2[%dma_start3A_501, %add3A_500, %dma_start3A_502] : memref<4x4096x1024xf32, #tpu.memory_space<hbm>> -> memref<1x16x1024xf32, #tpu.memory_space<hbm>>
        %dma_start3A_504 = tpu.memref_squeeze %dma_start3A_503 : memref<1x16x1024xf32, #tpu.memory_space<hbm>> -> memref<16x1024xf32, #tpu.memory_space<hbm>>
        %dma_start3A_505 = arith.constant 0 : i32
        %dma_start3A_506 = tpu.memref_slice %arg2[%dma_start3A_501, %add3A_500, %dma_start3A_505] : memref<4x4096x1024xf32, #tpu.memory_space<hbm>> -> memref<1x16x1024xf32, #tpu.memory_space<hbm>>
        %dma_start3A_507 = tpu.memref_squeeze %dma_start3A_506 : memref<1x16x1024xf32, #tpu.memory_space<hbm>> -> memref<16x1024xf32, #tpu.memory_space<hbm>>
        tpu.enqueue_dma source(%dma_start3A_507 : memref<16x1024xf32, #tpu.memory_space<hbm>>) target(%arg8 : memref<16x1024xf32, #tpu.memory_space<vmem>>) target_semaphore(%arg14 : memref<!tpu.dma_semaphore, #tpu.memory_space<semaphore_mem>>)
      } else {
      }
      %mul3A_448 = arith.constant 2 : i32
      %mul3A_449 = arith.muli %mul3A_448, %scan3A_75 : i32
      %add3A_450 = arith.constant 1 : i32
      %add3A_451 = arith.addi %mul3A_449, %add3A_450 : i32
      %mul3A_452 = arith.constant 16 : i32
      %mul3A_453 = arith.muli %add3A_451, %mul3A_452 : i32
      %add3A_454 = arith.addi %mul3A_2, %mul3A_453 : i32
      %dma_wait3A_455 = arith.constant 3 : i32
      %dma_wait3A_456 = arith.constant 0 : i32
      %dma_wait3A_457 = tpu.memref_slice %arg2[%dma_wait3A_455, %add3A_454, %dma_wait3A_456] : memref<4x4096x1024xf32, #tpu.memory_space<hbm>> -> memref<1x16x1024xf32, #tpu.memory_space<hbm>>
      %dma_wait3A_458 = tpu.memref_squeeze %dma_wait3A_457 : memref<1x16x1024xf32, #tpu.memory_space<hbm>> -> memref<16x1024xf32, #tpu.memory_space<hbm>>
      %dma_wait3A_459 = arith.constant 0 : i32
      %dma_wait3A_460 = tpu.memref_slice %arg2[%dma_wait3A_455, %add3A_454, %dma_wait3A_459] : memref<4x4096x1024xf32, #tpu.memory_space<hbm>> -> memref<1x16x1024xf32, #tpu.memory_space<hbm>>
      %dma_wait3A_461 = tpu.memref_squeeze %dma_wait3A_460 : memref<1x16x1024xf32, #tpu.memory_space<hbm>> -> memref<16x1024xf32, #tpu.memory_space<hbm>>
      tpu.wait_dma2 semaphore(%arg16 : memref<!tpu.dma_semaphore, #tpu.memory_space<semaphore_mem>>) src(%dma_wait3A_461 : memref<16x1024xf32, #tpu.memory_space<hbm>>) dst(%arg10 : memref<16x1024xf32, #tpu.memory_space<vmem>>)
      %parallel_loop3A_462 = arith.constant 0 : i32
      %parallel_loop3A_463 = arith.constant 1024 : i32
      %parallel_loop3A_464 = arith.constant 1 : i32
      scf.for %parallel_loop3A_488 = %parallel_loop3A_462 to %parallel_loop3A_463 step %parallel_loop3A_464  : i32 {
        %parallel_loop3A_489 = arith.constant 64 : i32
        %parallel_loop3A_490 = arith.divsi %parallel_loop3A_488, %parallel_loop3A_489 : i32
        %parallel_loop3A_491 = arith.constant 0 : i32
        %parallel_loop3A_492 = arith.cmpi sgt, %parallel_loop3A_488, %parallel_loop3A_491 : i32
        %parallel_loop3A_493 = arith.extui %parallel_loop3A_492 : i1 to i32
        %parallel_loop3A_494 = arith.constant 0 : i32
        %parallel_loop3A_495 = arith.cmpi slt, %parallel_loop3A_488, %parallel_loop3A_494 : i32
        %parallel_loop3A_496 = arith.extui %parallel_loop3A_495 : i1 to i32
        %parallel_loop3A_497 = arith.subi %parallel_loop3A_493, %parallel_loop3A_496 : i32
        %parallel_loop3A_498 = arith.constant 0 : i32
        %parallel_loop3A_499 = arith.cmpi sgt, %parallel_loop3A_489, %parallel_loop3A_498 : i32
        %parallel_loop3A_500 = arith.extui %parallel_loop3A_499 : i1 to i32
        %parallel_loop3A_501 = arith.constant 0 : i32
        %parallel_loop3A_502 = arith.cmpi slt, %parallel_loop3A_489, %parallel_loop3A_501 : i32
        %parallel_loop3A_503 = arith.extui %parallel_loop3A_502 : i1 to i32
        %parallel_loop3A_504 = arith.subi %parallel_loop3A_500, %parallel_loop3A_503 : i32
        %parallel_loop3A_505 = arith.cmpi ne, %parallel_loop3A_497, %parallel_loop3A_504 : i32
        %parallel_loop3A_506 = arith.remsi %parallel_loop3A_488, %parallel_loop3A_489 : i32
        %parallel_loop3A_507 = arith.constant 0 : i32
        %parallel_loop3A_508 = arith.cmpi ne, %parallel_loop3A_506, %parallel_loop3A_507 : i32
        %parallel_loop3A_509 = arith.andi %parallel_loop3A_505, %parallel_loop3A_508 : i1
        %parallel_loop3A_510 = arith.constant 1 : i32
        %parallel_loop3A_511 = arith.subi %parallel_loop3A_490, %parallel_loop3A_510 : i32
        %parallel_loop3A_512 = arith.select %parallel_loop3A_509, %parallel_loop3A_511, %parallel_loop3A_490 : i32
        %parallel_loop3A_513 = arith.constant 64 : i32
        %parallel_loop3A_514 = arith.constant 0 : i32
        %parallel_loop3A_515 = arith.cmpi eq, %parallel_loop3A_513, %parallel_loop3A_514 : i32
        %parallel_loop3A_516 = arith.constant 1 : i32
        %parallel_loop3A_517 = arith.select %parallel_loop3A_515, %parallel_loop3A_516, %parallel_loop3A_513 : i32
        %parallel_loop3A_518 = arith.remsi %parallel_loop3A_488, %parallel_loop3A_517 : i32
        %parallel_loop3A_519 = arith.constant 0 : i32
        %parallel_loop3A_520 = arith.cmpi ne, %parallel_loop3A_518, %parallel_loop3A_519 : i32
        %parallel_loop3A_521 = arith.constant 0 : i32
        %parallel_loop3A_522 = arith.cmpi slt, %parallel_loop3A_518, %parallel_loop3A_521 : i32
        %parallel_loop3A_523 = arith.constant 0 : i32
        %parallel_loop3A_524 = arith.cmpi slt, %parallel_loop3A_517, %parallel_loop3A_523 : i32
        %parallel_loop3A_525 = arith.xori %parallel_loop3A_522, %parallel_loop3A_524 : i1
        %parallel_loop3A_526 = arith.andi %parallel_loop3A_525, %parallel_loop3A_520 : i1
        %parallel_loop3A_527 = arith.addi %parallel_loop3A_518, %parallel_loop3A_517 : i32
        %parallel_loop3A_528 = arith.select %parallel_loop3A_526, %parallel_loop3A_527, %parallel_loop3A_518 : i32
        %parallel_loop3A_529 = arith.constant 16 : i32
        %parallel_loop3A_530 = arith.muli %parallel_loop3A_528, %parallel_loop3A_529 : i32
        %parallel_loop3A_531 = arith.index_cast %parallel_loop3A_512 : i32 to index
        %parallel_loop3A_532 = arith.index_cast %parallel_loop3A_530 : i32 to index
        %parallel_loop3A_533 = tpu.vector_load %arg6[%parallel_loop3A_531, %parallel_loop3A_532] {strides = array<i32>} : memref<16x1024xf32, #tpu.memory_space<vmem>>, vector<1x16xf32>,
        %parallel_loop3A_534 = vector.shape_cast %parallel_loop3A_533 : vector<1x16xf32> to vector<16xf32>
        %parallel_loop3A_535 = arith.index_cast %parallel_loop3A_512 : i32 to index
        %parallel_loop3A_536 = arith.index_cast %parallel_loop3A_530 : i32 to index
        %parallel_loop3A_537 = tpu.vector_load %arg10[%parallel_loop3A_535, %parallel_loop3A_536] {strides = array<i32>} : memref<16x1024xf32, #tpu.memory_space<vmem>>, vector<1x16xf32>,
        %parallel_loop3A_538 = vector.shape_cast %parallel_loop3A_537 : vector<1x16xf32> to vector<16xf32>
        %parallel_loop3A_539 = vector.shape_cast %parallel_loop3A_534 : vector<16xf32> to vector<1x16xf32>
        tpu.vector_store %arg10[%parallel_loop3A_535, %parallel_loop3A_536], %parallel_loop3A_539 {add = true, strides = array<i32>} : memref<16x1024xf32, #tpu.memory_space<vmem>>, vector<1x16xf32>,
      } {sc.loop_unroll_factor = 4 : i64, sc.parallel_access}
      %mul3A_465 = arith.constant 16 : i32
      %mul3A_466 = arith.muli %add3A_451, %mul3A_465 : i32
      %add3A_467 = arith.addi %mul3A_2, %mul3A_466 : i32
      %dma_start3A_468 = arith.constant 3 : i32
      %dma_start3A_469 = arith.constant 0 : i32
      %dma_start3A_470 = tpu.memref_slice %arg4[%dma_start3A_468, %add3A_467, %dma_start3A_469] : memref<4x4096x1024xf32, #tpu.memory_space<hbm>> -> memref<1x16x1024xf32, #tpu.memory_space<hbm>>
      %dma_start3A_471 = tpu.memref_squeeze %dma_start3A_470 : memref<1x16x1024xf32, #tpu.memory_space<hbm>> -> memref<16x1024xf32, #tpu.memory_space<hbm>>
      %dma_start3A_472 = arith.constant 0 : i32
      %dma_start3A_473 = tpu.memref_slice %arg4[%dma_start3A_468, %add3A_467, %dma_start3A_472] : memref<4x4096x1024xf32, #tpu.memory_space<hbm>> -> memref<1x16x1024xf32, #tpu.memory_space<hbm>>
      %dma_start3A_474 = tpu.memref_squeeze %dma_start3A_473 : memref<1x16x1024xf32, #tpu.memory_space<hbm>> -> memref<16x1024xf32, #tpu.memory_space<hbm>>
      tpu.enqueue_dma source(%arg10 : memref<16x1024xf32, #tpu.memory_space<vmem>>) target(%dma_start3A_474 : memref<16x1024xf32, #tpu.memory_space<hbm>>) target_semaphore(%arg20 : memref<!tpu.dma_semaphore, #tpu.memory_space<semaphore_mem>>)
      %mul3A_475 = arith.constant 2 : i32
      %mul3A_476 = arith.muli %mul3A_475, %scan3A_75 : i32
      %add3A_477 = arith.constant 1 : i32
      %add3A_478 = arith.addi %mul3A_476, %add3A_477 : i32
      %mul3A_479 = arith.constant 2 : i32
      %mul3A_480 = arith.muli %mul3A_479, %scan3A_75 : i32
      %add3A_481 = arith.constant 2 : i32
      %add3A_482 = arith.addi %mul3A_480, %add3A_481 : i32
      %lt3A_483 = arith.constant 3 : i32
      %lt3A_484 = arith.cmpi slt, %scan3A_75, %lt3A_483 : i32
      %convert_element_type3A_485 = arith.extui %lt3A_484 : i1 to i32
      %cond3A_486 = arith.constant 0 : i32
      %cond3A_487 = arith.cmpi ne, %convert_element_type3A_485, %cond3A_486 : i32
      scf.if %cond3A_487 {
        %mul3A_488 = arith.constant 16 : i32
        %mul3A_489 = arith.muli %add3A_478, %mul3A_488 : i32
        %add3A_490 = arith.addi %mul3A_2, %mul3A_489 : i32
        %dma_wait3A_491 = arith.constant 2 : i32
        %dma_wait3A_492 = arith.constant 0 : i32
        %dma_wait3A_493 = tpu.memref_slice %arg4[%dma_wait3A_491, %add3A_490, %dma_wait3A_492] : memref<4x4096x1024xf32, #tpu.memory_space<hbm>> -> memref<1x16x1024xf32, #tpu.memory_space<hbm>>
        %dma_wait3A_494 = tpu.memref_squeeze %dma_wait3A_493 : memref<1x16x1024xf32, #tpu.memory_space<hbm>> -> memref<16x1024xf32, #tpu.memory_space<hbm>>
        %dma_wait3A_495 = arith.constant 0 : i32
        %dma_wait3A_496 = tpu.memref_slice %arg4[%dma_wait3A_491, %add3A_490, %dma_wait3A_495] : memref<4x4096x1024xf32, #tpu.memory_space<hbm>> -> memref<1x16x1024xf32, #tpu.memory_space<hbm>>
        %dma_wait3A_497 = tpu.memref_squeeze %dma_wait3A_496 : memref<1x16x1024xf32, #tpu.memory_space<hbm>> -> memref<16x1024xf32, #tpu.memory_space<hbm>>
        tpu.wait_dma2 semaphore(%arg19 : memref<!tpu.dma_semaphore, #tpu.memory_space<semaphore_mem>>) src(%arg9 : memref<16x1024xf32, #tpu.memory_space<vmem>>) dst(%dma_wait3A_497 : memref<16x1024xf32, #tpu.memory_space<hbm>>)
        %mul3A_498 = arith.constant 16 : i32
        %mul3A_499 = arith.muli %add3A_482, %mul3A_498 : i32
        %add3A_500 = arith.addi %mul3A_2, %mul3A_499 : i32
        %dma_start3A_501 = arith.constant 2 : i32
        %dma_start3A_502 = arith.constant 0 : i32
        %dma_start3A_503 = tpu.memref_slice %arg2[%dma_start3A_501, %add3A_500, %dma_start3A_502] : memref<4x4096x1024xf32, #tpu.memory_space<hbm>> -> memref<1x16x1024xf32, #tpu.memory_space<hbm>>
        %dma_start3A_504 = tpu.memref_squeeze %dma_start3A_503 : memref<1x16x1024xf32, #tpu.memory_space<hbm>> -> memref<16x1024xf32, #tpu.memory_space<hbm>>
        %dma_start3A_505 = arith.constant 0 : i32
        %dma_start3A_506 = tpu.memref_slice %arg2[%dma_start3A_501, %add3A_500, %dma_start3A_505] : memref<4x4096x1024xf32, #tpu.memory_space<hbm>> -> memref<1x16x1024xf32, #tpu.memory_space<hbm>>
        %dma_start3A_507 = tpu.memref_squeeze %dma_start3A_506 : memref<1x16x1024xf32, #tpu.memory_space<hbm>> -> memref<16x1024xf32, #tpu.memory_space<hbm>>
        tpu.enqueue_dma source(%dma_start3A_507 : memref<16x1024xf32, #tpu.memory_space<hbm>>) target(%arg9 : memref<16x1024xf32, #tpu.memory_space<vmem>>) target_semaphore(%arg15 : memref<!tpu.dma_semaphore, #tpu.memory_space<semaphore_mem>>)
      } else {
      }
    }
    %scan3A_39 = arith.constant 4 : i32
    %add3A_40 = arith.constant 112 : i32
    %add3A_41 = arith.addi %mul3A_2, %add3A_40 : i32
    %dma_wait3A = arith.constant 0 : i32
    %dma_wait3A_42 = arith.constant 0 : i32
    %dma_wait3A_43 = tpu.memref_slice %arg4[%dma_wait3A, %add3A_41, %dma_wait3A_42] : memref<4x4096x1024xf32, #tpu.memory_space<hbm>> -> memref<1x16x1024xf32, #tpu.memory_space<hbm>>
    %dma_wait3A_44 = tpu.memref_squeeze %dma_wait3A_43 : memref<1x16x1024xf32, #tpu.memory_space<hbm>> -> memref<16x1024xf32, #tpu.memory_space<hbm>>
    %dma_wait3A_45 = arith.constant 0 : i32
    %dma_wait3A_46 = tpu.memref_slice %arg4[%dma_wait3A, %add3A_41, %dma_wait3A_45] : memref<4x4096x1024xf32, #tpu.memory_space<hbm>> -> memref<1x16x1024xf32, #tpu.memory_space<hbm>>
    %dma_wait3A_47 = tpu.memref_squeeze %dma_wait3A_46 : memref<1x16x1024xf32, #tpu.memory_space<hbm>> -> memref<16x1024xf32, #tpu.memory_space<hbm>>
    tpu.wait_dma2 semaphore(%arg17 : memref<!tpu.dma_semaphore, #tpu.memory_space<semaphore_mem>>) src(%arg7 : memref<16x1024xf32, #tpu.memory_space<vmem>>) dst(%dma_wait3A_47 : memref<16x1024xf32, #tpu.memory_space<hbm>>)
    %add3A_48 = arith.constant 112 : i32
    %add3A_49 = arith.addi %mul3A_2, %add3A_48 : i32
    %dma_wait3A_50 = arith.constant 1 : i32
    %dma_wait3A_51 = arith.constant 0 : i32
    %dma_wait3A_52 = tpu.memref_slice %arg4[%dma_wait3A_50, %add3A_49, %dma_wait3A_51] : memref<4x4096x1024xf32, #tpu.memory_space<hbm>> -> memref<1x16x1024xf32, #tpu.memory_space<hbm>>
    %dma_wait3A_53 = tpu.memref_squeeze %dma_wait3A_52 : memref<1x16x1024xf32, #tpu.memory_space<hbm>> -> memref<16x1024xf32, #tpu.memory_space<hbm>>
    %dma_wait3A_54 = arith.constant 0 : i32
    %dma_wait3A_55 = tpu.memref_slice %arg4[%dma_wait3A_50, %add3A_49, %dma_wait3A_54] : memref<4x4096x1024xf32, #tpu.memory_space<hbm>> -> memref<1x16x1024xf32, #tpu.memory_space<hbm>>
    %dma_wait3A_56 = tpu.memref_squeeze %dma_wait3A_55 : memref<1x16x1024xf32, #tpu.memory_space<hbm>> -> memref<16x1024xf32, #tpu.memory_space<hbm>>
    tpu.wait_dma2 semaphore(%arg18 : memref<!tpu.dma_semaphore, #tpu.memory_space<semaphore_mem>>) src(%arg8 : memref<16x1024xf32, #tpu.memory_space<vmem>>) dst(%dma_wait3A_56 : memref<16x1024xf32, #tpu.memory_space<hbm>>)
    %add3A_57 = arith.constant 112 : i32
    %add3A_58 = arith.addi %mul3A_2, %add3A_57 : i32
    %dma_wait3A_59 = arith.constant 2 : i32
    %dma_wait3A_60 = arith.constant 0 : i32
    %dma_wait3A_61 = tpu.memref_slice %arg4[%dma_wait3A_59, %add3A_58, %dma_wait3A_60] : memref<4x4096x1024xf32, #tpu.memory_space<hbm>> -> memref<1x16x1024xf32, #tpu.memory_space<hbm>>
    %dma_wait3A_62 = tpu.memref_squeeze %dma_wait3A_61 : memref<1x16x1024xf32, #tpu.memory_space<hbm>> -> memref<16x1024xf32, #tpu.memory_space<hbm>>
    %dma_wait3A_63 = arith.constant 0 : i32
    %dma_wait3A_64 = tpu.memref_slice %arg4[%dma_wait3A_59, %add3A_58, %dma_wait3A_63] : memref<4x4096x1024xf32, #tpu.memory_space<hbm>> -> memref<1x16x1024xf32, #tpu.memory_space<hbm>>
    %dma_wait3A_65 = tpu.memref_squeeze %dma_wait3A_64 : memref<1x16x1024xf32, #tpu.memory_space<hbm>> -> memref<16x1024xf32, #tpu.memory_space<hbm>>
    tpu.wait_dma2 semaphore(%arg19 : memref<!tpu.dma_semaphore, #tpu.memory_space<semaphore_mem>>) src(%arg9 : memref<16x1024xf32, #tpu.memory_space<vmem>>) dst(%dma_wait3A_65 : memref<16x1024xf32, #tpu.memory_space<hbm>>)
    %add3A_66 = arith.constant 112 : i32
    %add3A_67 = arith.addi %mul3A_2, %add3A_66 : i32
    %dma_wait3A_68 = arith.constant 3 : i32
    %dma_wait3A_69 = arith.constant 0 : i32
    %dma_wait3A_70 = tpu.memref_slice %arg4[%dma_wait3A_68, %add3A_67, %dma_wait3A_69] : memref<4x4096x1024xf32, #tpu.memory_space<hbm>> -> memref<1x16x1024xf32, #tpu.memory_space<hbm>>
    %dma_wait3A_71 = tpu.memref_squeeze %dma_wait3A_70 : memref<1x16x1024xf32, #tpu.memory_space<hbm>> -> memref<16x1024xf32, #tpu.memory_space<hbm>>
    %dma_wait3A_72 = arith.constant 0 : i32
    %dma_wait3A_73 = tpu.memref_slice %arg4[%dma_wait3A_68, %add3A_67, %dma_wait3A_72] : memref<4x4096x1024xf32, #tpu.memory_space<hbm>> -> memref<1x16x1024xf32, #tpu.memory_space<hbm>>
    %dma_wait3A_74 = tpu.memref_squeeze %dma_wait3A_73 : memref<1x16x1024xf32, #tpu.memory_space<hbm>> -> memref<16x1024xf32, #tpu.memory_space<hbm>>
    tpu.wait_dma2 semaphore(%arg20 : memref<!tpu.dma_semaphore, #tpu.memory_space<semaphore_mem>>) src(%arg10 : memref<16x1024xf32, #tpu.memory_space<vmem>>) dst(%dma_wait3A_74 : memref<16x1024xf32, #tpu.memory_space<hbm>>)
    return
  }
}

</mosaic_0001>

<sc_bundles>
// kernel: kernel.3.cloned.1.call-start
scs
__scs_entry_jumppad:
0x0: {  	(pc) =	sbr.rel $0x88, $3  }
0x1: {  	(tag) =	ssettag $0x0;
	lr =	simm.s32 $0x1  }
0x2: {  	[smem:$0x3F9F] =	sst lr;
	_ =	strace $0xD0000000  }
0x3: {  	_ = 	snop  }
0x4: {  	_ = 	snop  }
0x5: {  	_ = 	snop  }
0x6: {  	_ = 	snop  }
0x7: {  	_ = 	snop  }
__scs_overlays_trampoline_lowered:
0x8: {  	[smem:$0x3FAE] =	sst s0  }
0x9: {  	[smem:$0x3FAF] =	sst s1  }
0xa: {  	[smem:$0x3FB0] =	sst s2  }
0xb: {  	[smem:$0x3FB1] =	sst s3  }
0xc: {  	[smem:$0x3FB2] =	sst s4  }
0xd: {  	[smem:$0x3FB3] =	sst s5  }
0xe: {  	[smem:$0x3FB4] =	sst s6  }
0xf: {  	[smem:$0x3FB5] =	sst s7  }
0x10: {  	[smem:$0x3FB6] =	sst s8  }
0x11: {  	[smem:$0x3FB7] =	sst s9;
	s0 =	simm.s32 @!p0 $0x0  }
0x12: {  	s1 =	sld [smem:$0x3F9D];
	s0 =	simm.s32 @p0 $0x1  }
0x13: {  	[smem:$0x3FB8] =	sst s0;
	s0 =	simm.s32 @!p1 $0x0  }
0x14: {  	s2 =	sld [smem:$0x3F9C];
	s0 =	simm.s32 @p1 $0x1  }
0x15: {  	[smem:$0x3FB9] =	sst s0;
	s0 =	simm.s32 @!p2 $0x0  }
0x16: {  	s3 =	sld [smem:$0x3FDB];
	s0 =	simm.s32 @p2 $0x1  }
0x17: {  	s4 =	simm.s32 $0x1BF5;
	[smem:$0x3FBB] =	sst s0  }
0x18: {  	s0 =	sld [smem:$0x3F9E];
	_ =	swait.ge [sflag:s4], $0x0  }
0x19: {  	s7 =	sld [smem:$0x3F9F]  }
0x1a: {  	s8 =	sadd.s32 $0xFFFFE003, lr  }
0x1b: {  	s9 =	sadd.s32 $0xFFFFFEF7, lr;
	s5 =	simm.s32 $0xFFFFFFFF;
	p2 =	slt.u32 s8, $0xFFFFF086  }
0x1c: {  	p1 =	slt.u32 s9, $0xF7A;
	s5 =	simm.s32 @!p2 $0x0  }
0x1d: {  	s5 =	simm.s32 @p1 $0x1;
	p0 =	seq.s32 s7, s2  }
0x1e: {  	s7 =	smul.u32 @!p0 $0xF7A, s2;
	p2 =	seq.s32 @!p0 s5, $0x0  }
0x1f: {  	s9 =	smul.u32 $0xF7A, s1;
	s8 =	simm.s32 @!p0 $0x1BF5;
	p2 =	por !p2, p0  }
0x20: {  	[sflag:s8] =	ssyncset.s32 @!p0 $0xFFFFF086;
	s6 =	sadd.s32 @!p0 s3, s7;
	s7 =	simm.s32 @!p0 $0x108  }
0x21: {  	s3 =	sadd.s32 s3, s9;
	s6 =	sadd.s32 @!p0 $0x88, s6;
	s7 =	simm.s32 @p2 $0x1082  }
0x22: {  	[simem:s7], [sflag:s8] =	dma.local @!p0 [hbm:s6], $0xF7A  }
0x23: {  	s9 =	sor.u32 $0xD0000000, s2;
	s6 =	simm.s32 $0x108;
	_ =	swait.ge @!p0 [sflag:s8], $0x0  }
0x24: {  	s3 =	sadd.s32 $0x88, s3;
	s6 =	simm.s32 @!p1 $0x1082;
	[sflag:s4] =	ssyncset.s32 $0xFFFFF086  }
0x25: {  	[simem:s6], [sflag:s4] =	dma.local [hbm:s3], $0xF7A  }
0x26: {  	[smem:$0x3F9F] =	sst s1;
	(tag) =	ssettag s2;
	_ =	strace s9  }
0x27: {  	s1 =	sld [smem:$0x3FAF]  }
0x28: {  	s2 =	sld [smem:$0x3FB0]  }
0x29: {  	s4 =	sld [smem:$0x3FB2]  }
0x2a: {  	p0 =	seq.s32 s5, $0x0;
	s5 =	sld [smem:$0x3FB3]  }
0x2b: {  	s6 =	sld [smem:$0x3FB4]  }
0x2c: {  	s7 =	sld [smem:$0x3FB5]  }
0x2d: {  	s3 =	simm.s32 $0x108;
	s8 =	sld [smem:$0x3FB6]  }
0x2e: {  	s3 =	simm.s32 @!p0 $0x1082;
	s9 =	sld [smem:$0x3FB7]  }
0x2f: {  	lr =	sadd.s32 s0, s3;
	s0 =	sld [smem:$0x3FAE]  }
0x30: {  	s3 =	sld [smem:$0x3FB1]  }
0x31: {  	[smem:$0x3FBA] =	sst s10  }
0x32: {  	s10 =	sld [smem:$0x3FB8];
	_ =	sdelay $0x3  }
0x33: {  	p0 =	seq.s32 s10, $0x1;
	s10 =	sld [smem:$0x3FBA];
	_ =	sdelay $0x3  }
0x34: {  	[smem:$0x3FBA] =	sst s10  }
0x35: {  	s10 =	sld [smem:$0x3FB9];
	_ =	sdelay $0x3  }
0x36: {  	p1 =	seq.s32 s10, $0x1;
	s10 =	sld [smem:$0x3FBA];
	_ =	sdelay $0x3  }
0x37: {  	[smem:$0x3FBA] =	sst s10  }
0x38: {  	s10 =	sld [smem:$0x3FBB]  }
0x39: {  	_ = 	snop;
	(pc) =	sbr.ind lr, $3  }
0x3a: {  	_ = 	snop  }
0x3b: {  	_ = 	snop  }
0x3c: {  	p2 =	seq.s32 s10, $0x1;
	s10 =	sld [smem:$0x3FBA]  }
0x3d: {  	_ =	shalt  }
0x3e: {  	_ =	shalt  }
0x3f: {  	_ =	shalt  }
0x40: {  	_ =	shalt  }
0x41: {  	_ =	shalt  }
0x42: {  	_ =	shalt  }
0x43: {  	_ =	shalt  }
0x44: {  	_ =	shalt  }
0x45: {  	_ =	shalt  }
0x46: {  	_ =	shalt  }
0x47: {  	_ =	shalt  }
0x48: {  	_ =	shalt  }
0x49: {  	_ =	shalt  }
0x4a: {  	_ =	shalt  }
0x4b: {  	_ =	shalt  }
0x4c: {  	_ =	shalt  }
0x4d: {  	_ =	shalt  }
0x4e: {  	_ =	shalt  }
0x4f: {  	_ =	shalt  }
0x50: {  	_ =	shalt  }
0x51: {  	_ =	shalt  }
0x52: {  	_ =	shalt  }
0x53: {  	_ =	shalt  }
0x54: {  	_ =	shalt  }
0x55: {  	_ =	shalt  }
0x56: {  	_ =	shalt  }
0x57: {  	_ =	shalt  }
0x58: {  	_ =	shalt  }
0x59: {  	_ =	shalt  }
0x5a: {  	_ =	shalt  }
0x5b: {  	_ =	shalt  }
0x5c: {  	_ =	shalt  }
0x5d: {  	_ =	shalt  }
0x5e: {  	_ =	shalt  }
0x5f: {  	_ =	shalt  }
0x60: {  	_ =	shalt  }
0x61: {  	_ =	shalt  }
0x62: {  	_ =	shalt  }
0x63: {  	_ =	shalt  }
0x64: {  	_ =	shalt  }
0x65: {  	_ =	shalt  }
0x66: {  	_ =	shalt  }
0x67: {  	_ =	shalt  }
0x68: {  	_ =	shalt  }
0x69: {  	_ =	shalt  }
0x6a: {  	_ =	shalt  }
0x6b: {  	_ =	shalt  }
0x6c: {  	_ =	shalt  }
0x6d: {  	_ =	shalt  }
0x6e: {  	_ =	shalt  }
0x6f: {  	_ =	shalt  }
0x70: {  	_ =	shalt  }
0x71: {  	_ =	shalt  }
0x72: {  	_ =	shalt  }
0x73: {  	_ =	shalt  }
0x74: {  	_ =	shalt  }
0x75: {  	_ =	shalt  }
0x76: {  	_ =	shalt  }
0x77: {  	_ =	shalt  }
0x78: {  	_ =	shalt  }
0x79: {  	_ =	shalt  }
0x7a: {  	_ =	shalt  }
0x7b: {  	_ =	shalt  }
0x7c: {  	_ =	shalt  }
0x7d: {  	_ =	shalt  }
0x7e: {  	_ =	shalt  }
0x7f: {  	_ =	shalt  }
0x80: {  	_ =	shalt  }
0x81: {  	_ =	shalt  }
0x82: {  	_ =	shalt  }
0x83: {  	_ =	shalt  }
0x84: {  	_ =	shalt  }
0x85: {  	_ =	shalt  }
0x86: {  	_ =	shalt  }
0x87: {  	_ =	shalt  }
.Lfunc_end0:
.L_simem_size_0:
called_computation_lowered:
.L_overlay_start_0:
0x88: {  	s2 =	sld [smem:$0x3FD9]  }
0x89: {  	s3 =	sld [smem:$0x3FFE];
	_ =	sdelay $0x1  }
0x8a: {  	s1 =	srdreg.scid  }
0x8b: {  	s0 =	sand.u32 $0x1, s1  }
0x8c: {  	s18 =	sshll.u32 s0, $0xA;
	s2 =	sadd.s32 s3, s2  }
0x8d: {  	s2 =	sadd.s32 s2, s18  }
0x8e: {  	[smem:$0x3FC6] =	sst s2  }
0x8f: {  	_ = 	snop  }
0x90: {  	s2 =	sld [smem:$0x3FC9]  }
0x91: {  	s19 =	sld [smem:$0x3FC8]  }
0x92: {  	s4 =	sld [smem:$0x3FD0];
	(tm) =	ssettm $0x1  }
0x93: {  	s5 =	sld [smem:$0x3FFB];
	_ =	sdelay $0x3  }
0x94: {  	_ =	strace s5  }
0x95: {  	s5 =	sld [smem:$0x3FFC];
	_ =	sdelay $0x3  }
0x96: {  	_ =	strace s5  }
0x97: {  	s5 =	sld [smem:$0x3FFD];
	_ =	sdelay $0x3  }
0x98: {  	_ =	strace s5  }
0x99: {  	_ =	strace $0x8FFFFFFF  }
0x9a: {  	s20 =	sld [smem:$0x3FDB];
	_ =	sdelay $0x1  }
0x9b: {  	s6 =	simm.s32 $_scs_section_size  }
0x9c: {  	s7 =	simm.s32 $_size__tile_overlayer_lowered;
	s8 =	simm.s32 $_tile_overlayer_lowered  }
0x9d: {  	s23 =	simm.s32 $0x1BFF;
	s22 =	sshll.u32 s8, $0x1;
	s5 =	sadd.s32 s6, s20  }
0x9e: {  	s9 =	simm.s32 $0x0;
	s21 =	sshll.u32 s7, $0x1;
	s7 =	sadd.s32 s22, s5  }
0x9f: {  	[timem:s9], [sflag:s23] =	dma.local [hbm:s7], s21  }
0xa0: {  	_ =	swait.ge [sflag:s23], s21  }
0xa1: {  	s6 =	ssub.s32 $0x0, s21;
	[sflag:s23] =	ssyncset.done $0x0  }
0xa2: {  	[sflag:s23] =	ssyncadd.s32 s6;
	_ =	sdelay $0x1  }
0xa3: {  	s24 =	simm.s32 $0x1B8B  }
0xa4: {  	_ =	swait.ge [sflag:s24], $0x1  }
0xa5: {  	[sflag:s24] =	ssyncset.done $0x0  }
0xa6: {  	s25 =	simm.s32 $0x1B8E;
	[sflag:s24] =	ssyncadd.s32 $0xFFFFFFFF  }
0xa7: {  	s26 =	simm.s32 $execute0_lowered;
	[smem:$0x3FD2] =	sst s25  }
0xa8: {  	s6 =	sshll.u32 s26, $0x1;
	_ =	strace $0x80000046;
	[dreg:$0x1] =	wrdreg $0xFFFFFFFF  }
0xa9: {  	s28 =	simm.s32 $_size_execute0_lowered;
	s5 =	sadd.s32 s5, s6;
	[dreg:$0x0] =	wrdreg $0x0  }
0xaa: {  	s6 =	sshll.u32 s28, $0x1;
	[dreg:$0x2] =	wrdreg s5  }
0xab: {  	[dreg:$0x3] =	wrdreg s6  }
0xac: {  	[dreg:$0x4] =	wrdreg $0xC0  }
0xad: {  	_ =	task [dreg:s9], $0x5FFFF  }
0xae: {  	[dreg:$0x1] =	wrdreg $0xFFFFFFFF  }
0xaf: {  	[dreg:$0x0] =	wrdreg $0x60  }
0xb0: {  	[dreg:$0x2] =	wrdreg s2  }
0xb1: {  	[dreg:$0x3] =	wrdreg s19  }
0xb2: {  	[dreg:$0x4] =	wrdreg s4  }
0xb3: {  	[dreg:$0x5] =	wrdreg $0x9  }
0xb4: {  	_ =	task.clear_ibuf [dreg:s9], $0x6FFFF;
	_ =	strace $0x90000046  }
0xb5: {  	s29 =	simm.s32 $0x9;
	_ =	strace $0x80000048  }
0xb6: {  	_ =	swait.ge [sflag:s29], $0x1  }
0xb7: {  	[sflag:s29] =	ssyncadd.s32 $0xFFFFFFFF  }
0xb8: {  	_ =	strace $0x90000048  }
0xb9: {  	_ =	sfence  }
0xba: {  	s30 =	sld [smem:$0x0];
	_ =	sdelay $0x2  }
0xbb: {  	s31 =	sshll.u32 s1, $0xD;
	s1 =	sshrl.u32 s1, $0x2  }
0xbc: {  	s3 =	sand.u32 $0x4000, s31;
	s1 =	sadd.s32 s1, s30  }
0xbd: {  	s0 =	sor.u32 s3, s0;
	s1 =	sshll.u32 s1, $0x11  }
0xbe: {  	s0 =	sor.u32 s1, s0  }
0xbf: {  	s0 =	sadd.s32 $0x8F2B, s0  }
0xc0: {  	[sflag:s0] =	ssyncadd.remote.s32 $0x1  }
0xc1: {  	_ =	sfence.sel $0xFFFF  }
0xc2: {  	[dreg:$0x0] =	wrdreg $0xFFFFFFFF;
	(pc) =	sbr.abs _section_cstart, $3  }
0xc3: {  	[dreg:$0x1] =	wrdreg $0xFFFFFFFF  }
0xc4: {  	_ =	task.clear_ibuf [dreg:s9], $0x2FFFF;
	_ =	strace $0x9FFFFFFF  }
0xc5: {  	(tm) =	ssettm $0x7FFFFFFF  }
tec
execute0_lowered:
.L_overlay_start_1:
0x0: {  	(tag) =	ssettag $0x1  }
0x1: {  	s1 =	rddreg [dreg:$0x0]  }
0x2: {  	s0 =	srdreg.scid;
	s30 =	rddreg [dreg:$0x1]  }
0x3: {  	s2 =	stileid.u32;
	s4 =	rddreg [dreg:$0x2];
	s5 =	simm.s32 $0x0  }
0x4: {  	s18 =	simm.s32 $0x10000;
	s28 =	simm.s32 $0x6;
	s29 =	simm.s32 $0x9  }
0x5: {  	s31 =	simm.s32 $0xA;
	s0 =	sand.u32 $0x1, s0;
	s2 =	sshll.u32 s2, $0x8  }
0x6: {  	[smem:$0x7FF] =	sst s5;
	s24 =	sadd.s32 $0x80000, s4;
	s25 =	sadd.s32 $0x100000, s4  }
0x7: {  	s3 =	sshll.u32 s0, $0x7;
	_ =	strace $0x80000047;
	[dreg:$0xa] =	wrdreg s24  }
0x8: {  	s0 =	ssub.s32 $0x2, s0;
	[dreg:$0xb] =	wrdreg s25;
	s3 =	sor.u32 s3, s2  }
0x9: {  	s25 =	simm.s32 $0x5;
	s6 =	sshll.u32 s3, $0x7;
	[dreg:$0x4] =	wrdreg s3  }
0xa: {  	s20 =	sshrl.u32 s0, $0x1;
	s26 =	sor.u32 $0x20, s3;
	[dreg:$0x5] =	wrdreg s6  }
0xb: {  	s0 =	ssub.s32 s0, s20;
	s21 =	sadd.s32 s30, s6;
	[dreg:$0xc] =	wrdreg s26  }
.Ltmp0:
0xc: {  	s7 =	sadd.s32 s1, s6;
	[dreg:$0x7] =	wrdreg s21;
	(pc) =	sbr.rel .LBB2_1-.Ltmp0, $4  }
0xd: {  	s2 =	simm.s32 $0x0;
	s0 =	smax.u32 s0, $0x1;
	[dreg:$0x6] =	wrdreg s7  }
0xe: {  	s26 =	simm.s32 $0x8;
	s22 =	sadd.s32 $0x80000, s7;
	[dreg:$0xd] =	wrdreg s0  }
0xf: {  	s23 =	sadd.s32 $0x100000, s7;
	s21 =	simm.s32 $0x3;
	[dreg:$0x8] =	wrdreg s22  }
0x10: {  	[dreg:$0x9] =	wrdreg s23;
	s22 =	simm.s32 $0x14000;
	s23 =	simm.s32 $0x4  }
.LBB2_20:
0x11: {  	s0 =	simm.s32 $0x7  }
0x12: {  	_ =	swait.ge [sflag:s0], $0x4000  }
0x13: {  	[sflag:s0] =	ssyncset.done $0x0  }
0x14: {  	[sflag:s0] =	ssyncadd.s32 $0xFFFFC000  }
0x15: {  	_ =	swait.ge [sflag:s26], $0x4000  }
0x16: {  	[sflag:s26] =	ssyncset.done $0x0  }
0x17: {  	[sflag:s26] =	ssyncadd.s32 $0xFFFFC000  }
0x18: {  	_ =	swait.ge [sflag:s29], $0x4000  }
0x19: {  	[sflag:s29] =	ssyncset.done $0x0  }
0x1a: {  	[sflag:s29] =	ssyncadd.s32 $0xFFFFC000  }
0x1b: {  	_ =	swait.ge [sflag:s31], $0x4000  }
0x1c: {  	s2 =	rddreg [dreg:$0xe]  }
0x1d: {  	s24 =	rddreg [dreg:$0xd];
	s2 =	sadd.s32 $0x1, s2  }
0x1e: {  	p0 =	sne.s32 s2, s24  }
.Ltmp1:
0x1f: {  	_ = 	snop;
	(pc) =	sbr.rel @!p0 .LBB2_21-.Ltmp1, $3  }
0x20: {  	_ =	sdelay $0x1  }
0x21: {  	[sflag:s31] =	ssyncset.done $0x0  }
0x22: {  	[sflag:s31] =	ssyncadd.s32 $0xFFFFC000  }
.LBB2_1:
0x23: {  	[dreg:$0xe] =	wrdreg s2  }
0x24: {  	s0 =	rddreg [dreg:$0x7]  }
0x25: {  	[tilespmem:s5], [sflag:$0x1] =	stream.linear.gather [hbm4b:s0+s5], $0x4000, $0x38;
	[tilespmem:$0x18000] =	vst v63  }
0x26: {  	s16 =	rddreg [dreg:$0x6];
	s17 =	simm.s32 $0x8000  }
0x27: {  	[tilespmem:s17], [sflag:$0x3] =	stream.linear.gather [hbm4b:s16+s5], $0x4000, $0x38;
	[tilespmem:$0x18000] =	vst v63  }
0x28: {  	s19 =	rddreg [dreg:$0x8];
	s20 =	simm.s32 $0xC000  }
0x29: {  	[tilespmem:s20], [sflag:$0x4] =	stream.linear.gather [hbm4b:s19+s5], $0x4000, $0x38;
	[tilespmem:$0x18000] =	vst v63  }
0x2a: {  	s24 =	rddreg [dreg:$0x9];
	s0 =	simm.s32 $0x0  }
0x2b: {  	[tilespmem:s18], [sflag:$0x5] =	stream.linear.gather [hbm4b:s24+s5], $0x4000, $0x38;
	[tilespmem:$0x18000] =	vst v63  }
.LBB2_2:
0x2c: {  	s20 =	sshll.u32 s0, $0x5  }
0x2d: {  	s2 =	rddreg [dreg:$0x4];
	s3 =	simm.s32 $0x1;
	s12 =	simm.s32 $0x0  }
0x2e: {  	s6 =	simm.s32 $0x4000;
	s13 =	simm.s32 $0x0;
	s2 =	sor.u32 s20, s2  }
0x2f: {  	s7 =	simm.s32 $0x0;
	_ =	swait.ge [sflag:s3], $0x4000;
	s9 =	sshll.u32 s2, $0x7  }
0x30: {  	s14 =	sand.u32 $0x1C00, s12;
	[sflag:s3] =	ssyncset.done $0x0;
	s15 =	sor.u32 $0x800, s9  }
0x31: {  	s2 =	sand.u32 $0x2000, s13;
	[sflag:s3] =	ssyncadd.s32 $0xFFFFC000;
	s11 =	sadd.s32 s30, s15  }
0x32: {  	[tilespmem:s6], [sflag:$0x2] =	stream.linear.gather [hbm4b:s11+s12], $0x4000, $0x38;
	[tilespmem:$0x18000] =	vst v63  }
0x33: {  	s16 =	sand.u32 $0x380, s7;
	s2 =	sor.u32 s14, s2;
	_ =	swait.ge [sflag:s21], $0x4000  }
0x34: {  	s3 =	sand.u32 $0x40, s12;
	s2 =	sor.u32 s16, s2;
	[sflag:s21] =	ssyncset.done $0x0  }
0x35: {  	s6 =	sor.u32 s3, s2;
	[sflag:s21] =	ssyncadd.s32 $0xFFFFC000  }
0x36: {  	v1 =	vld [tilespmem:s6+$0x30]  }
0x37: {  	v2 =	vld [tilespmem:s6+$0x0]  }
0x38: {  	s24 =	smov.u32 s30;
	s10 =	simm.s32 $0x8;
	v3 =	vld [tilespmem:s6+$0x10]  }
0x39: {  	s19 =	simm.s32 $0x40;
	s10 =	sand.u32 $0x380, s10;
	s2 =	simm.s32 $0x200  }
0x3a: {  	s3 =	sand.u32 $0x2000, s19;
	s8 =	sand.u32 $0x1C00, s2;
	s11 =	sor.u32 $0x8030, s6;
	v0 =	vld [tilespmem:s6+$0x20]  }
0x3b: {  	s17 =	sor.u32 $0x8000, s6;
	s8 =	sor.u32 s8, s3;
	s3 =	simm.s32 $0x40;
	[tilespmem:s11+$0x0] =	vst.add.f32.msk $0xffff, v1  }
0x3c: {  	s30 =	sor.u32 $0x8010, s6;
	s12 =	sand.u32 $0x40, s3;
	s8 =	sor.u32 s10, s8;
	[tilespmem:s17+$0x0] =	vst.add.f32.msk $0xffff, v2  }
0x3d: {  	s10 =	sor.u32 s12, s8;
	[tilespmem:s30+$0x0] =	vst.add.f32.msk $0xffff, v3  }
0x3e: {  	s7 =	simm.s32 $0x4;
	s8 =	sor.u32 $0x8020, s6;
	v1 =	vld [tilespmem:s10+$0x30]  }
0x3f: {  	s12 =	sor.u32 $0x8000, s10;
	s6 =	sor.u32 $0x8010, s10;
	s11 =	sor.u32 $0x8020, s10;
	v2 =	vld [tilespmem:s10+$0x0]  }
.LBB2_3:
0x40: {  	s7 =	sadd.s32 $0x4, s7;
	v3 =	vld [tilespmem:s10+$0x10];
	s2 =	sadd.s32 $0x200, s2;
	s3 =	sadd.s32 $0x40, s3  }
0x41: {  	s13 =	sshll.u32 s7, $0x4;
	s14 =	sand.u32 $0x1C00, s2;
	p0 =	slt.u32 s7, $0x3FC;
	v4 =	vld [tilespmem:s10+$0x20]  }
0x42: {  	s19 =	sshll.u32 s7, $0x1;
	s10 =	sor.u32 $0x8030, s10;
	s13 =	sand.u32 $0x2000, s13;
	[tilespmem:s8+$0x0] =	vst.add.f32.msk $0xffff, v0  }
.Ltmp2:
0x43: {  	s8 =	sor.u32 s14, s13;
	s13 =	sand.u32 $0x380, s19;
	[tilespmem:s10+$0x0] =	vst.add.f32.msk $0xffff, v1;
	(pc) =	sbr.rel @p0 .LBB2_3-.Ltmp2, $4  }
0x44: {  	s10 =	sand.u32 $0x40, s3;
	s13 =	sor.u32 s13, s8;
	[tilespmem:s12+$0x0] =	vst.add.f32.msk $0xffff, v2;
	s8 =	smov.u32 s11  }
0x45: {  	s10 =	sor.u32 s10, s13;
	[tilespmem:s6+$0x0] =	vst.add.f32.msk $0xffff, v3  }
0x46: {  	s12 =	sor.u32 $0x8000, s10;
	s6 =	sor.u32 $0x8010, s10;
	s11 =	sor.u32 $0x8020, s10;
	v1 =	vld [tilespmem:s10+$0x30];
	v0 =	vmov v4  }
0x47: {  	v2 =	vld [tilespmem:s10+$0x0]  }
0x48: {  	v3 =	vld [tilespmem:s10+$0x10]  }
0x49: {  	v4 =	vld [tilespmem:s10+$0x20]  }
0x4a: {  	s2 =	sor.u32 $0x8030, s10;
	[tilespmem:s8+$0x0] =	vst.add.f32.msk $0xffff, v0  }
0x4b: {  	[tilespmem:s2+$0x0] =	vst.add.f32.msk $0xffff, v1  }
0x4c: {  	[tilespmem:s12+$0x0] =	vst.add.f32.msk $0xffff, v2  }
0x4d: {  	[tilespmem:s6+$0x0] =	vst.add.f32.msk $0xffff, v3  }
0x4e: {  	s7 =	sshll.u32 s0, $0xC;
	s3 =	rddreg [dreg:$0x5]  }
0x4f: {  	s6 =	sadd.s32 s3, s7  }
0x50: {  	s8 =	simm.s32 $0x8000;
	p0 =	seq.s32 s0, $0x0;
	[tilespmem:s11+$0x0] =	vst.add.f32.msk $0xffff, v4;
	s2 =	sadd.s32 s4, s6  }
0x51: {  	[hbm4b:s2+s5] =	stream.linear.scatter [tilespmem:s8], [sflag:$0x7], $0x4000, $0x38;
	[tilespmem:$0x18000] =	vst v63  }
0x52: {  	s13 =	simm.s32 $0x0;
	s2 =	simm.s32 @!p0 $0xA  }
0x53: {  	s11 =	simm.s32 $0x0;
	s7 =	simm.s32 $0x0;
	_ =	swait.ge @!p0 [sflag:s2], $0x4000  }
0x54: {  	s3 =	sor.u32 $0x180000, s6;
	s12 =	sand.u32 $0x1C00, s7;
	[sflag:s2] =	ssyncset.done @!p0 $0x0  }
0x55: {  	s10 =	sadd.s32 s1, s3;
	[sflag:s2] =	ssyncadd.s32 @!p0 $0xFFFFC000;
	s2 =	sand.u32 $0x2000, s11  }
0x56: {  	[tilespmem:s22], [sflag:$0x6] =	stream.linear.gather [hbm4b:s10+s7], $0x4000, $0x38;
	[tilespmem:$0x18000] =	vst v63  }
0x57: {  	s14 =	sand.u32 $0x380, s13;
	s2 =	sor.u32 s12, s2;
	_ =	swait.ge [sflag:s23], $0x4000  }
0x58: {  	s7 =	sand.u32 $0x40, s7;
	s2 =	sor.u32 s14, s2;
	[sflag:s23] =	ssyncset.done $0x0  }
0x59: {  	s8 =	sor.u32 s7, s2;
	[sflag:s23] =	ssyncadd.s32 $0xFFFFC000  }
0x5a: {  	v1 =	vld [tilespmem:s8+$0x30]  }
0x5b: {  	v2 =	vld [tilespmem:s8+$0x0]  }
0x5c: {  	s16 =	simm.s32 $0x40;
	v3 =	vld [tilespmem:s8+$0x10]  }
0x5d: {  	s19 =	simm.s32 $0x8;
	s11 =	simm.s32 $0x40;
	s7 =	simm.s32 $0x200  }
0x5e: {  	s10 =	sand.u32 $0x2000, s16;
	s17 =	sand.u32 $0x1C00, s7;
	s13 =	sor.u32 $0xC030, s8;
	v0 =	vld [tilespmem:s8+$0x20]  }
0x5f: {  	s12 =	sand.u32 $0x380, s19;
	s2 =	sor.u32 $0xC000, s8;
	s10 =	sor.u32 s17, s10;
	[tilespmem:s13+$0x0] =	vst.add.f32.msk $0xffff, v1  }
0x60: {  	s14 =	sand.u32 $0x40, s11;
	s30 =	sor.u32 $0xC010, s8;
	s10 =	sor.u32 s12, s10;
	[tilespmem:s2+$0x0] =	vst.add.f32.msk $0xffff, v2  }
0x61: {  	s19 =	sor.u32 s14, s10;
	[tilespmem:s30+$0x0] =	vst.add.f32.msk $0xffff, v3  }
0x62: {  	s10 =	sor.u32 $0xC020, s8;
	s14 =	sor.u32 $0xC000, s19;
	s12 =	sor.u32 $0xC010, s19;
	v1 =	vld [tilespmem:s19+$0x30]  }
0x63: {  	s8 =	sor.u32 $0xC020, s19;
	s2 =	sshll.u32 s0, $0x1;
	s13 =	simm.s32 $0x4;
	v2 =	vld [tilespmem:s19+$0x0]  }
.LBB2_5:
0x64: {  	s13 =	sadd.s32 $0x4, s13;
	v3 =	vld [tilespmem:s19+$0x10];
	s7 =	sadd.s32 $0x200, s7;
	s11 =	sadd.s32 $0x40, s11  }
0x65: {  	s16 =	sshll.u32 s13, $0x4;
	s17 =	sand.u32 $0x1C00, s7;
	p0 =	slt.u32 s13, $0x3FC;
	v4 =	vld [tilespmem:s19+$0x20]  }
0x66: {  	s30 =	sshll.u32 s13, $0x1;
	s19 =	sor.u32 $0xC030, s19;
	s16 =	sand.u32 $0x2000, s16;
	[tilespmem:s10+$0x0] =	vst.add.f32.msk $0xffff, v0  }
.Ltmp3:
0x67: {  	s10 =	sor.u32 s17, s16;
	s16 =	sand.u32 $0x380, s30;
	[tilespmem:s19+$0x0] =	vst.add.f32.msk $0xffff, v1;
	(pc) =	sbr.rel @p0 .LBB2_5-.Ltmp3, $4  }
0x68: {  	s17 =	sand.u32 $0x40, s11;
	s16 =	sor.u32 s16, s10;
	[tilespmem:s14+$0x0] =	vst.add.f32.msk $0xffff, v2;
	s10 =	smov.u32 s8  }
0x69: {  	s19 =	sor.u32 s17, s16;
	[tilespmem:s12+$0x0] =	vst.add.f32.msk $0xffff, v3  }
0x6a: {  	s14 =	sor.u32 $0xC000, s19;
	s12 =	sor.u32 $0xC010, s19;
	s8 =	sor.u32 $0xC020, s19;
	v1 =	vld [tilespmem:s19+$0x30];
	v0 =	vmov v4  }
0x6b: {  	v2 =	vld [tilespmem:s19+$0x0]  }
0x6c: {  	v3 =	vld [tilespmem:s19+$0x10]  }
0x6d: {  	v4 =	vld [tilespmem:s19+$0x20]  }
0x6e: {  	s7 =	sor.u32 $0xC030, s19;
	[tilespmem:s10+$0x0] =	vst.add.f32.msk $0xffff, v0  }
0x6f: {  	[tilespmem:s7+$0x0] =	vst.add.f32.msk $0xffff, v1  }
0x70: {  	[tilespmem:s14+$0x0] =	vst.add.f32.msk $0xffff, v2  }
0x71: {  	[tilespmem:s12+$0x0] =	vst.add.f32.msk $0xffff, v3  }
0x72: {  	[tilespmem:s8+$0x0] =	vst.add.f32.msk $0xffff, v4  }
0x73: {  	s17 =	simm.s32 $0x0;
	s7 =	rddreg [dreg:$0xa]  }
0x74: {  	s19 =	simm.s32 $0xC000;
	s30 =	simm.s32 $0x7;
	s7 =	sadd.s32 s6, s7  }
0x75: {  	[hbm4b:s7+s17] =	stream.linear.scatter [tilespmem:s19], [sflag:$0x8], $0x4000, $0x38;
	[tilespmem:$0x18000] =	vst v63  }
0x76: {  	_ =	swait.ge [sflag:s30], $0x4000  }
0x77: {  	s10 =	sadd.s32 s1, s15;
	[sflag:s30] =	ssyncset.done $0x0  }
0x78: {  	s11 =	simm.s32 $0x8000;
	s12 =	simm.s32 $0x0;
	[sflag:s30] =	ssyncadd.s32 $0xFFFFC000  }
0x79: {  	[tilespmem:s11], [sflag:$0x3] =	stream.linear.gather [hbm4b:s10+s17], $0x4000, $0x38;
	[tilespmem:$0x18000] =	vst v63  }
0x7a: {  	s13 =	sand.u32 $0x1C00, s17;
	s7 =	sand.u32 $0x2000, s12;
	s11 =	simm.s32 $0x0  }
0x7b: {  	s7 =	sor.u32 s13, s7;
	_ =	swait.ge [sflag:s25], $0x4000;
	s14 =	sand.u32 $0x380, s11  }
0x7c: {  	s8 =	sand.u32 $0x40, s17;
	[sflag:s25] =	ssyncset.done $0x0;
	s7 =	sor.u32 s14, s7  }
0x7d: {  	[sflag:s25] =	ssyncadd.s32 $0xFFFFC000;
	s8 =	sor.u32 s8, s7  }
0x7e: {  	v1 =	vld [tilespmem:s8+$0x30]  }
0x7f: {  	v2 =	vld [tilespmem:s8+$0x0]  }
0x80: {  	s13 =	simm.s32 $0x8;
	v3 =	vld [tilespmem:s8+$0x10]  }
0x81: {  	s16 =	simm.s32 $0x40;
	s13 =	sand.u32 $0x380, s13;
	s7 =	simm.s32 $0x200  }
0x82: {  	s11 =	sand.u32 $0x2000, s16;
	s17 =	sand.u32 $0x1C00, s7;
	v0 =	vld [tilespmem:s8+$0x20];
	s19 =	sor.u32 $0x10030, s8  }
0x83: {  	s10 =	sor.u32 $0x10000, s8;
	s12 =	sor.u32 s17, s11;
	s11 =	simm.s32 $0x40;
	[tilespmem:s19+$0x0] =	vst.add.f32.msk $0xffff, v1  }
0x84: {  	s30 =	sor.u32 $0x10010, s8;
	s16 =	sand.u32 $0x40, s11;
	s12 =	sor.u32 s13, s12;
	[tilespmem:s10+$0x0] =	vst.add.f32.msk $0xffff, v2  }
0x85: {  	s19 =	sor.u32 s16, s12;
	[tilespmem:s30+$0x0] =	vst.add.f32.msk $0xffff, v3  }
0x86: {  	s13 =	simm.s32 $0x4;
	s10 =	sor.u32 $0x10020, s8;
	v1 =	vld [tilespmem:s19+$0x30]  }
0x87: {  	s14 =	sor.u32 $0x10000, s19;
	s12 =	sor.u32 $0x10010, s19;
	s8 =	sor.u32 $0x10020, s19;
	v2 =	vld [tilespmem:s19+$0x0]  }
.LBB2_7:
0x88: {  	s13 =	sadd.s32 $0x4, s13;
	v3 =	vld [tilespmem:s19+$0x10];
	s7 =	sadd.s32 $0x200, s7;
	s11 =	sadd.s32 $0x40, s11  }
0x89: {  	s16 =	sshll.u32 s13, $0x4;
	s17 =	sand.u32 $0x1C00, s7;
	p0 =	slt.u32 s13, $0x3FC;
	v4 =	vld [tilespmem:s19+$0x20]  }
0x8a: {  	s30 =	sshll.u32 s13, $0x1;
	s19 =	sor.u32 $0x10030, s19;
	s16 =	sand.u32 $0x2000, s16;
	[tilespmem:s10+$0x0] =	vst.add.f32.msk $0xffff, v0  }
.Ltmp4:
0x8b: {  	s10 =	sor.u32 s17, s16;
	s16 =	sand.u32 $0x380, s30;
	[tilespmem:s19+$0x0] =	vst.add.f32.msk $0xffff, v1;
	(pc) =	sbr.rel @p0 .LBB2_7-.Ltmp4, $4  }
0x8c: {  	s17 =	sand.u32 $0x40, s11;
	s16 =	sor.u32 s16, s10;
	[tilespmem:s14+$0x0] =	vst.add.f32.msk $0xffff, v2;
	s10 =	smov.u32 s8  }
0x8d: {  	s19 =	sor.u32 s17, s16;
	[tilespmem:s12+$0x0] =	vst.add.f32.msk $0xffff, v3  }
0x8e: {  	s14 =	sor.u32 $0x10000, s19;
	s12 =	sor.u32 $0x10010, s19;
	s8 =	sor.u32 $0x10020, s19;
	v1 =	vld [tilespmem:s19+$0x30];
	v0 =	vmov v4  }
0x8f: {  	v2 =	vld [tilespmem:s19+$0x0]  }
0x90: {  	v3 =	vld [tilespmem:s19+$0x10]  }
0x91: {  	v4 =	vld [tilespmem:s19+$0x20]  }
0x92: {  	s7 =	sor.u32 $0x10030, s19;
	[tilespmem:s10+$0x0] =	vst.add.f32.msk $0xffff, v0  }
0x93: {  	[tilespmem:s7+$0x0] =	vst.add.f32.msk $0xffff, v1  }
0x94: {  	[tilespmem:s14+$0x0] =	vst.add.f32.msk $0xffff, v2  }
0x95: {  	[tilespmem:s12+$0x0] =	vst.add.f32.msk $0xffff, v3  }
0x96: {  	[tilespmem:s8+$0x0] =	vst.add.f32.msk $0xffff, v4  }
0x97: {  	s7 =	rddreg [dreg:$0xb]  }
0x98: {  	s30 =	simm.s32 $0x0;
	s6 =	sadd.s32 s6, s7  }
0x99: {  	[hbm4b:s6+s30] =	stream.linear.scatter [tilespmem:s18], [sflag:$0x9], $0x4000, $0x38;
	[tilespmem:$0x18000] =	vst v63  }
0x9a: {  	_ =	swait.ge [sflag:s26], $0x4000  }
0x9b: {  	s11 =	simm.s32 $0xC000;
	s6 =	sor.u32 $0x80800, s9;
	[sflag:s26] =	ssyncset.done $0x0  }
0x9c: {  	s12 =	simm.s32 $0x0;
	s10 =	sadd.s32 s1, s6;
	[sflag:s26] =	ssyncadd.s32 $0xFFFFC000  }
0x9d: {  	[tilespmem:s11], [sflag:$0x4] =	stream.linear.gather [hbm4b:s10+s30], $0x4000, $0x38;
	[tilespmem:$0x18000] =	vst v63  }
0x9e: {  	s13 =	sand.u32 $0x1C00, s30;
	s8 =	sand.u32 $0x2000, s12;
	s11 =	simm.s32 $0x0  }
0x9f: {  	s8 =	sor.u32 s13, s8;
	_ =	swait.ge [sflag:s28], $0x4000;
	s14 =	sand.u32 $0x380, s11  }
0xa0: {  	s7 =	sand.u32 $0x40, s30;
	[sflag:s28] =	ssyncset.done $0x0;
	s8 =	sor.u32 s14, s8  }
0xa1: {  	[sflag:s28] =	ssyncadd.s32 $0xFFFFC000;
	s8 =	sor.u32 s7, s8  }
0xa2: {  	v1 =	vld [tilespmem:s8+$0x30]  }
0xa3: {  	v2 =	vld [tilespmem:s8+$0x0]  }
0xa4: {  	s13 =	simm.s32 $0x8;
	v3 =	vld [tilespmem:s8+$0x10]  }
0xa5: {  	s16 =	simm.s32 $0x40;
	s13 =	sand.u32 $0x380, s13;
	s7 =	simm.s32 $0x200  }
0xa6: {  	s11 =	sand.u32 $0x2000, s16;
	s17 =	sand.u32 $0x1C00, s7;
	v0 =	vld [tilespmem:s8+$0x20];
	s19 =	sor.u32 $0x14030, s8  }
0xa7: {  	s10 =	sor.u32 $0x14000, s8;
	s12 =	sor.u32 s17, s11;
	s11 =	simm.s32 $0x40;
	[tilespmem:s19+$0x0] =	vst.add.f32.msk $0xffff, v1  }
0xa8: {  	s30 =	sor.u32 $0x14010, s8;
	s16 =	sand.u32 $0x40, s11;
	s12 =	sor.u32 s13, s12;
	[tilespmem:s10+$0x0] =	vst.add.f32.msk $0xffff, v2  }
0xa9: {  	s19 =	sor.u32 s16, s12;
	[tilespmem:s30+$0x0] =	vst.add.f32.msk $0xffff, v3  }
0xaa: {  	s13 =	simm.s32 $0x4;
	s10 =	sor.u32 $0x14020, s8;
	v1 =	vld [tilespmem:s19+$0x30]  }
0xab: {  	s14 =	sor.u32 $0x14000, s19;
	s12 =	sor.u32 $0x14010, s19;
	s8 =	sor.u32 $0x14020, s19;
	v2 =	vld [tilespmem:s19+$0x0]  }
.LBB2_9:
0xac: {  	s13 =	sadd.s32 $0x4, s13;
	v3 =	vld [tilespmem:s19+$0x10];
	s7 =	sadd.s32 $0x200, s7;
	s11 =	sadd.s32 $0x40, s11  }
0xad: {  	s16 =	sshll.u32 s13, $0x4;
	s17 =	sand.u32 $0x1C00, s7;
	p0 =	slt.u32 s13, $0x3FC;
	v4 =	vld [tilespmem:s19+$0x20]  }
0xae: {  	s30 =	sshll.u32 s13, $0x1;
	s19 =	sor.u32 $0x14030, s19;
	s16 =	sand.u32 $0x2000, s16;
	[tilespmem:s10+$0x0] =	vst.add.f32.msk $0xffff, v0  }
.Ltmp5:
0xaf: {  	s10 =	sor.u32 s17, s16;
	s16 =	sand.u32 $0x380, s30;
	[tilespmem:s19+$0x0] =	vst.add.f32.msk $0xffff, v1;
	(pc) =	sbr.rel @p0 .LBB2_9-.Ltmp5, $4  }
0xb0: {  	s17 =	sand.u32 $0x40, s11;
	s16 =	sor.u32 s16, s10;
	[tilespmem:s14+$0x0] =	vst.add.f32.msk $0xffff, v2;
	s10 =	smov.u32 s8  }
0xb1: {  	s19 =	sor.u32 s17, s16;
	[tilespmem:s12+$0x0] =	vst.add.f32.msk $0xffff, v3  }
0xb2: {  	s14 =	sor.u32 $0x14000, s19;
	s12 =	sor.u32 $0x14010, s19;
	s8 =	sor.u32 $0x14020, s19;
	v1 =	vld [tilespmem:s19+$0x30];
	v0 =	vmov v4  }
0xb3: {  	v2 =	vld [tilespmem:s19+$0x0]  }
0xb4: {  	v3 =	vld [tilespmem:s19+$0x10]  }
0xb5: {  	v4 =	vld [tilespmem:s19+$0x20]  }
0xb6: {  	s7 =	sor.u32 $0x14030, s19;
	[tilespmem:s10+$0x0] =	vst.add.f32.msk $0xffff, v0  }
0xb7: {  	[tilespmem:s7+$0x0] =	vst.add.f32.msk $0xffff, v1  }
0xb8: {  	[tilespmem:s14+$0x0] =	vst.add.f32.msk $0xffff, v2  }
0xb9: {  	[tilespmem:s12+$0x0] =	vst.add.f32.msk $0xffff, v3  }
0xba: {  	s3 =	sadd.s32 s4, s3;
	[tilespmem:s8+$0x0] =	vst.add.f32.msk $0xffff, v4  }
0xbb: {  	[hbm4b:s3+s5] =	stream.linear.scatter [tilespmem:s22], [sflag:$0xA], $0x4000, $0x38;
	[tilespmem:$0x18000] =	vst v63  }
0xbc: {  	_ =	swait.ge [sflag:s29], $0x4000  }
0xbd: {  	s3 =	sor.u32 $0x100800, s9;
	[sflag:s29] =	ssyncset.done $0x0  }
0xbe: {  	s11 =	simm.s32 $0x2;
	s10 =	sadd.s32 s1, s3;
	[sflag:s29] =	ssyncadd.s32 $0xFFFFC000  }
0xbf: {  	[tilespmem:s18], [sflag:$0x5] =	stream.linear.gather [hbm4b:s10+s5], $0x4000, $0x38;
	[tilespmem:$0x18000] =	vst v63  }
0xc0: {  	_ =	swait.ge [sflag:s11], $0x4000  }
0xc1: {  	p0 =	seq.s32 s0, $0x3;
	s7 =	rddreg [dreg:$0xc]  }
0xc2: {  	s13 =	simm.s32 $0x0;
	s7 =	sadd.s32 @!p0 s20, s7  }
0xc3: {  	s8 =	simm.s32 @!p0 $0x0;
	[sflag:s11] =	ssyncset.done $0x0;
	s7 =	sshll.u32 @!p0 s7, $0x7  }
0xc4: {  	s12 =	simm.s32 $0x0;
	[sflag:s11] =	ssyncadd.s32 $0xFFFFC000;
	s7 =	sadd.s32 @!p0 s24, s7  }
0xc5: {  	[tilespmem:s8], [sflag:$0x1] =	stream.linear.gather @!p0 [hbm4b:s7+s8], $0x4000, $0x38;
	[tilespmem:$0x18000] =	vst v63  }
0xc6: {  	s14 =	sand.u32 $0x1C00, s12;
	s11 =	simm.s32 $0x0;
	s8 =	sand.u32 $0x2000, s13  }
0xc7: {  	s16 =	sand.u32 $0x380, s11;
	_ =	swait.ge [sflag:s21], $0x4000;
	s8 =	sor.u32 s14, s8  }
0xc8: {  	s7 =	sand.u32 $0x40, s12;
	[sflag:s21] =	ssyncset.done $0x0;
	s8 =	sor.u32 s16, s8  }
0xc9: {  	[sflag:s21] =	ssyncadd.s32 $0xFFFFC000;
	s8 =	sor.u32 s7, s8  }
0xca: {  	v1 =	vld [tilespmem:s8+$0x4030]  }
0xcb: {  	v2 =	vld [tilespmem:s8+$0x4000]  }
0xcc: {  	s30 =	smov.u32 s24;
	s17 =	simm.s32 $0x40;
	v3 =	vld [tilespmem:s8+$0x4010]  }
0xcd: {  	s11 =	sand.u32 $0x2000, s17;
	s13 =	simm.s32 $0x8;
	s7 =	simm.s32 $0x200  }
0xce: {  	s13 =	sand.u32 $0x380, s13;
	s19 =	sand.u32 $0x1C00, s7;
	v0 =	vld [tilespmem:s8+$0x4020];
	s20 =	sor.u32 $0x8030, s8  }
0xcf: {  	s10 =	sor.u32 $0x8000, s8;
	s12 =	sor.u32 s19, s11;
	s11 =	simm.s32 $0x40;
	[tilespmem:s20+$0x0] =	vst.add.f32.msk $0xffff, v1  }
0xd0: {  	s24 =	sor.u32 $0x8010, s8;
	s16 =	sand.u32 $0x40, s11;
	s12 =	sor.u32 s13, s12;
	[tilespmem:s10+$0x0] =	vst.add.f32.msk $0xffff, v2  }
0xd1: {  	s19 =	sor.u32 s16, s12;
	[tilespmem:s24+$0x0] =	vst.add.f32.msk $0xffff, v3  }
0xd2: {  	s13 =	simm.s32 $0x4;
	s14 =	sor.u32 $0x8000, s19;
	v1 =	vld [tilespmem:s19+$0x4030]  }
0xd3: {  	s12 =	sor.u32 $0x8010, s19;
	s10 =	sor.u32 $0x8020, s8;
	s8 =	sor.u32 $0x8020, s19;
	v2 =	vld [tilespmem:s19+$0x4000]  }
.LBB2_11:
0xd4: {  	s13 =	sadd.s32 $0x4, s13;
	v3 =	vld [tilespmem:s19+$0x4010];
	s7 =	sadd.s32 $0x200, s7;
	s11 =	sadd.s32 $0x40, s11  }
0xd5: {  	s16 =	sshll.u32 s13, $0x4;
	s17 =	sand.u32 $0x1C00, s7;
	p1 =	slt.u32 s13, $0x3FC;
	v4 =	vld [tilespmem:s19+$0x4020]  }
0xd6: {  	s20 =	sshll.u32 s13, $0x1;
	s19 =	sor.u32 $0x8030, s19;
	s16 =	sand.u32 $0x2000, s16;
	[tilespmem:s10+$0x0] =	vst.add.f32.msk $0xffff, v0  }
.Ltmp6:
0xd7: {  	s10 =	sor.u32 s17, s16;
	s16 =	sand.u32 $0x380, s20;
	[tilespmem:s19+$0x0] =	vst.add.f32.msk $0xffff, v1;
	(pc) =	sbr.rel @p1 .LBB2_11-.Ltmp6, $4  }
0xd8: {  	s17 =	sand.u32 $0x40, s11;
	s16 =	sor.u32 s16, s10;
	[tilespmem:s14+$0x0] =	vst.add.f32.msk $0xffff, v2;
	s10 =	smov.u32 s8  }
0xd9: {  	s19 =	sor.u32 s17, s16;
	[tilespmem:s12+$0x0] =	vst.add.f32.msk $0xffff, v3  }
0xda: {  	s14 =	sor.u32 $0x8000, s19;
	s12 =	sor.u32 $0x8010, s19;
	s8 =	sor.u32 $0x8020, s19;
	v1 =	vld [tilespmem:s19+$0x4030];
	v0 =	vmov v4  }
0xdb: {  	v2 =	vld [tilespmem:s19+$0x4000]  }
0xdc: {  	v3 =	vld [tilespmem:s19+$0x4010]  }
0xdd: {  	v4 =	vld [tilespmem:s19+$0x4020]  }
0xde: {  	s7 =	sor.u32 $0x8030, s19;
	[tilespmem:s10+$0x0] =	vst.add.f32.msk $0xffff, v0  }
0xdf: {  	[tilespmem:s7+$0x0] =	vst.add.f32.msk $0xffff, v1  }
0xe0: {  	[tilespmem:s14+$0x0] =	vst.add.f32.msk $0xffff, v2  }
0xe1: {  	[tilespmem:s12+$0x0] =	vst.add.f32.msk $0xffff, v3  }
0xe2: {  	s19 =	sadd.s32 s4, s15;
	s20 =	simm.s32 $0x0;
	s24 =	simm.s32 $0x8000;
	[tilespmem:s8+$0x0] =	vst.add.f32.msk $0xffff, v4  }
0xe3: {  	[hbm4b:s19+s20] =	stream.linear.scatter [tilespmem:s24], [sflag:$0x7], $0x4000, $0x38;
	[tilespmem:$0x18000] =	vst v63  }
0xe4: {  	_ =	swait.ge [sflag:s31], $0x4000  }
0xe5: {  	s9 =	sor.u32 $0x180800, s9;
	[sflag:s31] =	ssyncset.done $0x0  }
0xe6: {  	s11 =	sadd.s32 s1, s9;
	s12 =	simm.s32 $0x0;
	[sflag:s31] =	ssyncadd.s32 $0xFFFFC000  }
0xe7: {  	[tilespmem:s22], [sflag:$0x6] =	stream.linear.gather [hbm4b:s11+s20], $0x4000, $0x38;
	[tilespmem:$0x18000] =	vst v63  }
0xe8: {  	s13 =	sand.u32 $0x1C00, s20;
	s7 =	sand.u32 $0x2000, s12;
	s11 =	simm.s32 $0x0  }
0xe9: {  	s7 =	sor.u32 s13, s7;
	_ =	swait.ge [sflag:s23], $0x4000;
	s14 =	sand.u32 $0x380, s11  }
0xea: {  	s8 =	sand.u32 $0x40, s20;
	[sflag:s23] =	ssyncset.done $0x0;
	s7 =	sor.u32 s14, s7  }
0xeb: {  	[sflag:s23] =	ssyncadd.s32 $0xFFFFC000;
	s8 =	sor.u32 s8, s7  }
0xec: {  	v1 =	vld [tilespmem:s8+$0x4030]  }
0xed: {  	v2 =	vld [tilespmem:s8+$0x4000]  }
0xee: {  	s13 =	simm.s32 $0x8;
	v3 =	vld [tilespmem:s8+$0x4010]  }
0xef: {  	s16 =	simm.s32 $0x40;
	s13 =	sand.u32 $0x380, s13;
	s7 =	simm.s32 $0x200  }
0xf0: {  	s11 =	sand.u32 $0x2000, s16;
	s17 =	sand.u32 $0x1C00, s7;
	v0 =	vld [tilespmem:s8+$0x4020];
	s19 =	sor.u32 $0xC030, s8  }
0xf1: {  	s15 =	sor.u32 $0xC000, s8;
	s12 =	sor.u32 s17, s11;
	s11 =	simm.s32 $0x40;
	[tilespmem:s19+$0x0] =	vst.add.f32.msk $0xffff, v1  }
0xf2: {  	s20 =	sor.u32 $0xC010, s8;
	s24 =	sand.u32 $0x40, s11;
	s12 =	sor.u32 s13, s12;
	[tilespmem:s15+$0x0] =	vst.add.f32.msk $0xffff, v2  }
0xf3: {  	s15 =	sor.u32 s24, s12;
	[tilespmem:s20+$0x0] =	vst.add.f32.msk $0xffff, v3  }
0xf4: {  	s10 =	sor.u32 $0xC020, s8;
	s13 =	simm.s32 $0x4;
	v1 =	vld [tilespmem:s15+$0x4030]  }
0xf5: {  	s14 =	sor.u32 $0xC000, s15;
	s12 =	sor.u32 $0xC010, s15;
	s8 =	sor.u32 $0xC020, s15;
	v2 =	vld [tilespmem:s15+$0x4000]  }
.LBB2_13:
0xf6: {  	s13 =	sadd.s32 $0x4, s13;
	v3 =	vld [tilespmem:s15+$0x4010];
	s7 =	sadd.s32 $0x200, s7;
	s11 =	sadd.s32 $0x40, s11  }
0xf7: {  	s16 =	sshll.u32 s13, $0x4;
	s17 =	sand.u32 $0x1C00, s7;
	p1 =	slt.u32 s13, $0x3FC;
	v4 =	vld [tilespmem:s15+$0x4020]  }
0xf8: {  	s19 =	sshll.u32 s13, $0x1;
	s15 =	sor.u32 $0xC030, s15;
	s16 =	sand.u32 $0x2000, s16;
	[tilespmem:s10+$0x0] =	vst.add.f32.msk $0xffff, v0  }
.Ltmp7:
0xf9: {  	s10 =	sor.u32 s17, s16;
	s16 =	sand.u32 $0x380, s19;
	[tilespmem:s15+$0x0] =	vst.add.f32.msk $0xffff, v1;
	(pc) =	sbr.rel @p1 .LBB2_13-.Ltmp7, $4  }
0xfa: {  	s15 =	sand.u32 $0x40, s11;
	s16 =	sor.u32 s16, s10;
	[tilespmem:s14+$0x0] =	vst.add.f32.msk $0xffff, v2;
	s10 =	smov.u32 s8  }
0xfb: {  	s15 =	sor.u32 s15, s16;
	[tilespmem:s12+$0x0] =	vst.add.f32.msk $0xffff, v3  }
0xfc: {  	s14 =	sor.u32 $0xC000, s15;
	s12 =	sor.u32 $0xC010, s15;
	s8 =	sor.u32 $0xC020, s15;
	v1 =	vld [tilespmem:s15+$0x4030];
	v0 =	vmov v4  }
0xfd: {  	v2 =	vld [tilespmem:s15+$0x4000]  }
0xfe: {  	v3 =	vld [tilespmem:s15+$0x4010]  }
0xff: {  	v4 =	vld [tilespmem:s15+$0x4020]  }
0x100: {  	s7 =	sor.u32 $0xC030, s15;
	[tilespmem:s10+$0x0] =	vst.add.f32.msk $0xffff, v0  }
0x101: {  	[tilespmem:s7+$0x0] =	vst.add.f32.msk $0xffff, v1  }
0x102: {  	[tilespmem:s14+$0x0] =	vst.add.f32.msk $0xffff, v2  }
0x103: {  	[tilespmem:s12+$0x0] =	vst.add.f32.msk $0xffff, v3  }
0x104: {  	s6 =	sadd.s32 s4, s6;
	s20 =	simm.s32 $0xC000;
	[tilespmem:s8+$0x0] =	vst.add.f32.msk $0xffff, v4  }
0x105: {  	[hbm4b:s6+s5] =	stream.linear.scatter [tilespmem:s20], [sflag:$0x8], $0x4000, $0x38;
	[tilespmem:$0x18000] =	vst v63  }
0x106: {  	s6 =	simm.s32 @!p0 $0x7  }
0x107: {  	s2 =	sadd.s32 $0x2, s2;
	_ =	swait.ge @!p0 [sflag:s6], $0x4000  }
0x108: {  	s10 =	simm.s32 @!p0 $0x8000;
	s24 =	simm.s32 $0x0;
	[sflag:s6] =	ssyncset.done @!p0 $0x0  }
0x109: {  	s7 =	rddreg [dreg:$0x6];
	[sflag:s6] =	ssyncadd.s32 @!p0 $0xFFFFC000;
	s6 =	sshll.u32 @!p0 s2, $0xB  }
0x10a: {  	s8 =	simm.s32 @!p0 $0x0;
	s12 =	simm.s32 $0x0;
	s7 =	sadd.s32 @!p0 s6, s7  }
0x10b: {  	[tilespmem:s10], [sflag:$0x3] =	stream.linear.gather @!p0 [hbm4b:s7+s8], $0x4000, $0x38;
	[tilespmem:$0x18000] =	vst v63  }
0x10c: {  	s11 =	simm.s32 $0x0;
	s13 =	sand.u32 $0x1C00, s24;
	s8 =	sand.u32 $0x2000, s12  }
0x10d: {  	s14 =	sand.u32 $0x380, s11;
	_ =	swait.ge [sflag:s25], $0x4000;
	s8 =	sor.u32 s13, s8  }
0x10e: {  	s7 =	sand.u32 $0x40, s24;
	[sflag:s25] =	ssyncset.done $0x0;
	s8 =	sor.u32 s14, s8  }
0x10f: {  	[sflag:s25] =	ssyncadd.s32 $0xFFFFC000;
	s8 =	sor.u32 s7, s8  }
0x110: {  	v1 =	vld [tilespmem:s8+$0x4030]  }
0x111: {  	v2 =	vld [tilespmem:s8+$0x4000]  }
0x112: {  	s16 =	simm.s32 $0x40;
	v3 =	vld [tilespmem:s8+$0x4010]  }
0x113: {  	s11 =	sand.u32 $0x2000, s16;
	s13 =	simm.s32 $0x8;
	s7 =	simm.s32 $0x200  }
0x114: {  	s13 =	sand.u32 $0x380, s13;
	s17 =	sand.u32 $0x1C00, s7;
	v0 =	vld [tilespmem:s8+$0x4020];
	s19 =	sor.u32 $0x10030, s8  }
0x115: {  	s15 =	sor.u32 $0x10000, s8;
	s12 =	sor.u32 s17, s11;
	s11 =	simm.s32 $0x40;
	[tilespmem:s19+$0x0] =	vst.add.f32.msk $0xffff, v1  }
0x116: {  	s20 =	sor.u32 $0x10010, s8;
	s24 =	sand.u32 $0x40, s11;
	s12 =	sor.u32 s13, s12;
	[tilespmem:s15+$0x0] =	vst.add.f32.msk $0xffff, v2  }
0x117: {  	s15 =	sor.u32 s24, s12;
	[tilespmem:s20+$0x0] =	vst.add.f32.msk $0xffff, v3  }
0x118: {  	s10 =	sor.u32 $0x10020, s8;
	s13 =	simm.s32 $0x4;
	v1 =	vld [tilespmem:s15+$0x4030]  }
0x119: {  	s14 =	sor.u32 $0x10000, s15;
	s12 =	sor.u32 $0x10010, s15;
	s8 =	sor.u32 $0x10020, s15;
	v2 =	vld [tilespmem:s15+$0x4000]  }
.LBB2_15:
0x11a: {  	s13 =	sadd.s32 $0x4, s13;
	v3 =	vld [tilespmem:s15+$0x4010];
	s7 =	sadd.s32 $0x200, s7;
	s11 =	sadd.s32 $0x40, s11  }
0x11b: {  	s16 =	sshll.u32 s13, $0x4;
	s17 =	sand.u32 $0x1C00, s7;
	p1 =	slt.u32 s13, $0x3FC;
	v4 =	vld [tilespmem:s15+$0x4020]  }
0x11c: {  	s19 =	sshll.u32 s13, $0x1;
	s15 =	sor.u32 $0x10030, s15;
	s16 =	sand.u32 $0x2000, s16;
	[tilespmem:s10+$0x0] =	vst.add.f32.msk $0xffff, v0  }
.Ltmp8:
0x11d: {  	s10 =	sor.u32 s17, s16;
	s16 =	sand.u32 $0x380, s19;
	[tilespmem:s15+$0x0] =	vst.add.f32.msk $0xffff, v1;
	(pc) =	sbr.rel @p1 .LBB2_15-.Ltmp8, $4  }
0x11e: {  	s15 =	sand.u32 $0x40, s11;
	s16 =	sor.u32 s16, s10;
	[tilespmem:s14+$0x0] =	vst.add.f32.msk $0xffff, v2;
	s10 =	smov.u32 s8  }
0x11f: {  	s15 =	sor.u32 s15, s16;
	[tilespmem:s12+$0x0] =	vst.add.f32.msk $0xffff, v3  }
0x120: {  	s14 =	sor.u32 $0x10000, s15;
	s12 =	sor.u32 $0x10010, s15;
	s8 =	sor.u32 $0x10020, s15;
	v1 =	vld [tilespmem:s15+$0x4030];
	v0 =	vmov v4  }
0x121: {  	v2 =	vld [tilespmem:s15+$0x4000]  }
0x122: {  	v3 =	vld [tilespmem:s15+$0x4010]  }
0x123: {  	v4 =	vld [tilespmem:s15+$0x4020]  }
0x124: {  	s7 =	sor.u32 $0x10030, s15;
	[tilespmem:s10+$0x0] =	vst.add.f32.msk $0xffff, v0  }
0x125: {  	[tilespmem:s7+$0x0] =	vst.add.f32.msk $0xffff, v1  }
0x126: {  	[tilespmem:s14+$0x0] =	vst.add.f32.msk $0xffff, v2  }
0x127: {  	[tilespmem:s12+$0x0] =	vst.add.f32.msk $0xffff, v3  }
0x128: {  	s3 =	sadd.s32 s4, s3;
	[tilespmem:s8+$0x0] =	vst.add.f32.msk $0xffff, v4  }
0x129: {  	[hbm4b:s3+s5] =	stream.linear.scatter [tilespmem:s18], [sflag:$0x9], $0x4000, $0x38;
	[tilespmem:$0x18000] =	vst v63  }
0x12a: {  	s3 =	simm.s32 @!p0 $0x8  }
0x12b: {  	_ =	swait.ge @!p0 [sflag:s3], $0x4000  }
0x12c: {  	s11 =	simm.s32 $0x0;
	[sflag:s3] =	ssyncset.done @!p0 $0x0  }
0x12d: {  	s7 =	simm.s32 @!p0 $0xC000;
	[sflag:s3] =	ssyncadd.s32 @!p0 $0xFFFFC000;
	s3 =	rddreg [dreg:$0x8]  }
0x12e: {  	s12 =	simm.s32 $0x0;
	s3 =	sadd.s32 @!p0 s6, s3;
	s6 =	simm.s32 @!p0 $0x0  }
0x12f: {  	[tilespmem:s7], [sflag:$0x4] =	stream.linear.gather @!p0 [hbm4b:s3+s6], $0x4000, $0x38;
	[tilespmem:$0x18000] =	vst v63  }
0x130: {  	s13 =	sand.u32 $0x1C00, s11;
	s14 =	simm.s32 $0x0;
	s6 =	sand.u32 $0x2000, s12  }
0x131: {  	s15 =	sand.u32 $0x380, s14;
	_ =	swait.ge [sflag:s28], $0x4000;
	s6 =	sor.u32 s13, s6  }
0x132: {  	s3 =	sand.u32 $0x40, s11;
	[sflag:s28] =	ssyncset.done $0x0;
	s6 =	sor.u32 s15, s6  }
0x133: {  	[sflag:s28] =	ssyncadd.s32 $0xFFFFC000;
	s7 =	sor.u32 s3, s6  }
0x134: {  	v1 =	vld [tilespmem:s7+$0x4030]  }
0x135: {  	v2 =	vld [tilespmem:s7+$0x4000]  }
0x136: {  	s11 =	simm.s32 $0x8;
	v3 =	vld [tilespmem:s7+$0x4010]  }
0x137: {  	s17 =	simm.s32 $0x40;
	s11 =	sand.u32 $0x380, s11;
	s3 =	simm.s32 $0x200  }
0x138: {  	s6 =	sand.u32 $0x2000, s17;
	s19 =	sand.u32 $0x1C00, s3;
	v0 =	vld [tilespmem:s7+$0x4020];
	s20 =	sor.u32 $0x14030, s7  }
0x139: {  	s16 =	sor.u32 $0x14000, s7;
	s10 =	sor.u32 s19, s6;
	s6 =	simm.s32 $0x40;
	[tilespmem:s20+$0x0] =	vst.add.f32.msk $0xffff, v1  }
0x13a: {  	s24 =	sor.u32 $0x14010, s7;
	s13 =	sand.u32 $0x40, s6;
	s10 =	sor.u32 s11, s10;
	[tilespmem:s16+$0x0] =	vst.add.f32.msk $0xffff, v2  }
0x13b: {  	s13 =	sor.u32 s13, s10;
	[tilespmem:s24+$0x0] =	vst.add.f32.msk $0xffff, v3  }
0x13c: {  	s11 =	simm.s32 $0x4;
	s10 =	sor.u32 $0x14020, s7;
	v1 =	vld [tilespmem:s13+$0x4030]  }
0x13d: {  	s12 =	sor.u32 $0x14000, s13;
	s7 =	sor.u32 $0x14010, s13;
	s8 =	sor.u32 $0x14020, s13;
	v2 =	vld [tilespmem:s13+$0x4000]  }
.LBB2_17:
0x13e: {  	s11 =	sadd.s32 $0x4, s11;
	v3 =	vld [tilespmem:s13+$0x4010];
	s3 =	sadd.s32 $0x200, s3;
	s6 =	sadd.s32 $0x40, s6  }
0x13f: {  	s14 =	sshll.u32 s11, $0x4;
	s15 =	sand.u32 $0x1C00, s3;
	p1 =	slt.u32 s11, $0x3FC;
	v4 =	vld [tilespmem:s13+$0x4020]  }
0x140: {  	s16 =	sshll.u32 s11, $0x1;
	s13 =	sor.u32 $0x14030, s13;
	s14 =	sand.u32 $0x2000, s14;
	[tilespmem:s10+$0x0] =	vst.add.f32.msk $0xffff, v0  }
.Ltmp9:
0x141: {  	s10 =	sor.u32 s15, s14;
	s14 =	sand.u32 $0x380, s16;
	[tilespmem:s13+$0x0] =	vst.add.f32.msk $0xffff, v1;
	(pc) =	sbr.rel @p1 .LBB2_17-.Ltmp9, $4  }
0x142: {  	s13 =	sand.u32 $0x40, s6;
	s14 =	sor.u32 s14, s10;
	[tilespmem:s12+$0x0] =	vst.add.f32.msk $0xffff, v2;
	s10 =	smov.u32 s8  }
0x143: {  	s13 =	sor.u32 s13, s14;
	[tilespmem:s7+$0x0] =	vst.add.f32.msk $0xffff, v3  }
0x144: {  	s12 =	sor.u32 $0x14000, s13;
	s7 =	sor.u32 $0x14010, s13;
	s8 =	sor.u32 $0x14020, s13;
	v1 =	vld [tilespmem:s13+$0x4030];
	v0 =	vmov v4  }
0x145: {  	v2 =	vld [tilespmem:s13+$0x4000]  }
0x146: {  	v3 =	vld [tilespmem:s13+$0x4010]  }
0x147: {  	v4 =	vld [tilespmem:s13+$0x4020]  }
0x148: {  	s3 =	sor.u32 $0x14030, s13;
	[tilespmem:s10+$0x0] =	vst.add.f32.msk $0xffff, v0  }
.Ltmp10:
0x149: {  	[tilespmem:s3+$0x0] =	vst.add.f32.msk $0xffff, v1;
	(pc) =	sbr.rel @p0 .LBB2_20-.Ltmp10, $4  }
0x14a: {  	[tilespmem:s12+$0x0] =	vst.add.f32.msk $0xffff, v2  }
0x14b: {  	[tilespmem:s7+$0x0] =	vst.add.f32.msk $0xffff, v3  }
0x14c: {  	s24 =	sadd.s32 s4, s9;
	[tilespmem:s8+$0x0] =	vst.add.f32.msk $0xffff, v4  }
0x14d: {  	[hbm4b:s24+s5] =	stream.linear.scatter [tilespmem:s22], [sflag:$0xA], $0x4000, $0x38;
	[tilespmem:$0x18000] =	vst v63  }
.Ltmp11:
0x14e: {  	(pc) =	sbr.rel .LBB2_2-.Ltmp11, $4  }
0x14f: {  	_ =	swait.ge [sflag:s29], $0x4000  }
0x150: {  	s2 =	sshll.u32 s2, $0xB;
	[sflag:s29] =	ssyncset.done $0x0;
	s3 =	rddreg [dreg:$0x9]  }
0x151: {  	s0 =	sadd.s32 $0x1, s0;
	[sflag:s29] =	ssyncadd.s32 $0xFFFFC000;
	s2 =	sadd.s32 s2, s3  }
0x152: {  	[tilespmem:s18], [sflag:$0x5] =	stream.linear.gather [hbm4b:s2+s5], $0x4000, $0x38;
	[tilespmem:$0x18000] =	vst v63  }
.LBB2_21:
0x153: {  	_ =	sfence.sel $0x180000  }
0x154: {  	[bflag:$0x0] =	sbarrier.arrive $0xFFFF  }
0x155: {  	_ =	strace $0x90000047  }
0x156: {  	s0 =	stileid.u32;
	[bflag:$0x2] =	sbarrier.arrive $0xFFFF  }
0x157: {  	p0 =	sne.s32 s0, $0x0;
	s0 =	rddreg [dreg:$0x3]  }
0x158: {  	s0 =	sadd.s32 @!p0 $0x100000, s0  }
0x159: {  	[sflag:s0] =	ssyncadd.tile.s32 @!p0 $0x1;
	_ =	shalt  }
.Lfunc_end2:
_tile_overlayer_lowered:
.L_overlay_start_2:
0x15a: {  	(tag) =	ssettag $0x2  }
0x15b: {  	s0 =	rddreg [dreg:$0x0];
	s2 =	stileid.u32  }
0x15c: {  	s1 =	rddreg [dreg:$0x1];
	p0 =	sne.s32 s2, $0x0  }
0x15d: {  	s3 =	rddreg [dreg:$0x2];
	[bflag:$0x3] =	sbarrier.arrive $0xFFFF;
	s2 =	simm.s32 @!p0 $0x1C0B  }
0x15e: {  	[timem:s3], [sflag:s2] =	dma.local @!p0 [hbm:s0], s1  }
0x15f: {  	s0 =	simm.s32 @!p0 $0xB  }
0x160: {  	_ =	swait.ge @!p0 [sflag:s0], s1  }
0x161: {  	s1 =	ssub.s32 @!p0 $0x0, s1;
	[sflag:s0] =	ssyncset.done @!p0 $0x0  }
0x162: {  	[sflag:s0] =	ssyncadd.s32 @!p0 s1  }
0x163: {  	[bflag:$0x3] =	sbarrier.arrive $0xFFFF  }
0x164: {  	_ =	shalt  }

</sc_bundles>
